<compile_context>
chip_gen: v7x
topology: tpu7x:2x2x1
jax: 0.10.2.dev20260603
libtpu: 0.0.44.dev20260713+nightly
codegen_flags: <defaults>
</compile_context>

<pallas_src>
import functools

import jax
import jax.numpy as jnp
from jax import lax
from jax.experimental import pallas as pl
from jax.experimental.pallas import tpu as pltpu
from jax.experimental.pallas import tpu_sc as plsc

D_MODEL = 128
CH = 64
NBUF = 14
NW = 32


def _gather_flat(table, idx_flat, n):
    rows_w = n // NW
    nch = rows_w // CH
    half = NBUF // 2
    mesh = plsc.VectorSubcoreMesh(core_axis_name="core",
                                  subcore_axis_name="subcore")

    @functools.partial(
        pl.kernel,
        out_type=jax.ShapeDtypeStruct((n, D_MODEL), table.dtype),
        mesh=mesh,
        scratch_types=(
            [pltpu.VMEM((rows_w,), jnp.int32)]
            + [pltpu.VMEM((CH, D_MODEL), table.dtype) for _ in range(NBUF)]
            + [pltpu.SemaphoreType.DMA for _ in range(2 * NBUF)]
        ),
    )
    def gather_kernel(table_hbm, idx_hbm, out_hbm, idx_v, *rest):
        bufs = rest[:NBUF]
        gsems = rest[NBUF:2 * NBUF]
        osems = rest[2 * NBUF:]
        wid = lax.axis_index("subcore") * 2 + lax.axis_index("core")
        base = wid * rows_w

        def gather_start(c, b):
            pltpu.async_copy(
                table_hbm.at[idx_v.at[pl.ds(c * CH, CH)]], bufs[b], gsems[b])

        def gather_wait(b):
            pltpu.make_async_copy(
                table_hbm.at[pl.ds(0, CH)], bufs[b], gsems[b]).wait()

        def store_start(c, b):
            pltpu.async_copy(
                bufs[b], out_hbm.at[pl.ds(base + c * CH, CH)], osems[b])

        def store_wait(b):
            pltpu.make_async_copy(
                bufs[b], out_hbm.at[pl.ds(base, CH)], osems[b]).wait()

        pltpu.sync_copy(idx_hbm.at[pl.ds(base, rows_w)], idx_v)
        for b in range(half):
            gather_start(b, b)

        @pl.loop(0, (nch // NBUF) * NBUF, step=NBUF)
        def _(g):
            for j in range(NBUF):
                c = g + j
                k = (j + half) % NBUF
                gather_wait(j)
                store_start(c, j)

                @pl.when(c <= nch - 1 - half)
                def _():
                    @pl.when(c >= half)
                    def _():
                        store_wait(k)
                    gather_start(c + half, k)

        for c in range((nch // NBUF) * NBUF, nch):
            gather_wait(c % NBUF)
            store_start(c, c % NBUF)
        for c in range(nch - NBUF, nch):
            store_wait(c % NBUF)

    return gather_kernel(table, idx_flat)


def kernel(x, table):
    B, S = x.shape
    n = B * S
    idx_flat = x.T.astype(jnp.int32).reshape(n)
    out2d = _gather_flat(table, idx_flat, n)
    return out2d.reshape(S, B, D_MODEL).transpose(1, 0, 2)

# --- scband reference (transcript-rebuilt; emitter-appended) ---
"""Pipeline reference for scband-rtids-embedder-89507118449092 (READ-ONLY COPY).

The authoritative reference and input builder live on the scoring server;
editing this copy changes nothing except your own understanding.
"""

import jax, jax.numpy as jnp
import numpy as np

VOCAB = 100000
D_MODEL = 128

def setup_inputs(seed: int = 0) -> dict:
    key = jax.random.key(seed)
    k1, k2 = jax.random.split(key)
    x = jax.random.randint(k1, (4096, 50), 0, VOCAB, dtype=jnp.int64) if jax.config.jax_enable_x64 else jax.random.randint(k1, (4096, 50), 0, VOCAB, dtype=jnp.int32)
    table = jax.random.normal(k2, (VOCAB, D_MODEL), dtype=jnp.float32)
    return {"x": x, "table": table}

def reference(x, table):
    # nn.Embedding forward: row gather from the embedding table
    return jnp.take(table, x, axis=0)

if __name__ == "__main__":
    import jax
    _d = setup_inputs()
    print(jax.jit(kernel)(*tuple(_d.values())))

</pallas_src>

<mosaic_0001>
#map = affine_map<(d0, d1) -> (0, 0)>
#map1 = affine_map<(d0, d1) -> (0)>
module attributes {stable_mosaic.version = 14 : i64} {
  func.func @gather_kernel(%arg0: i32, %arg1: i32, %arg2: memref<100000x128xf32, #tpu.memory_space<hbm>>, %arg3: memref<204800xi32, #tpu.memory_space<hbm>>, %arg4: memref<204800x128xf32, #tpu.memory_space<hbm>>, %arg5: memref<6400xi32, #tpu.memory_space<vmem>>, %arg6: memref<64x128xf32, #tpu.memory_space<vmem>>, %arg7: memref<64x128xf32, #tpu.memory_space<vmem>>, %arg8: memref<64x128xf32, #tpu.memory_space<vmem>>, %arg9: memref<64x128xf32, #tpu.memory_space<vmem>>, %arg10: memref<64x128xf32, #tpu.memory_space<vmem>>, %arg11: memref<64x128xf32, #tpu.memory_space<vmem>>, %arg12: memref<64x128xf32, #tpu.memory_space<vmem>>, %arg13: memref<64x128xf32, #tpu.memory_space<vmem>>, %arg14: memref<64x128xf32, #tpu.memory_space<vmem>>, %arg15: memref<64x128xf32, #tpu.memory_space<vmem>>, %arg16: memref<64x128xf32, #tpu.memory_space<vmem>>, %arg17: memref<64x128xf32, #tpu.memory_space<vmem>>, %arg18: memref<64x128xf32, #tpu.memory_space<vmem>>, %arg19: memref<64x128xf32, #tpu.memory_space<vmem>>, %arg20: memref<!tpu.dma_semaphore, #tpu.memory_space<semaphore_mem>>, %arg21: memref<!tpu.dma_semaphore, #tpu.memory_space<semaphore_mem>>, %arg22: memref<!tpu.dma_semaphore, #tpu.memory_space<semaphore_mem>>, %arg23: memref<!tpu.dma_semaphore, #tpu.memory_space<semaphore_mem>>, %arg24: memref<!tpu.dma_semaphore, #tpu.memory_space<semaphore_mem>>, %arg25: memref<!tpu.dma_semaphore, #tpu.memory_space<semaphore_mem>>, %arg26: memref<!tpu.dma_semaphore, #tpu.memory_space<semaphore_mem>>, %arg27: memref<!tpu.dma_semaphore, #tpu.memory_space<semaphore_mem>>, %arg28: memref<!tpu.dma_semaphore, #tpu.memory_space<semaphore_mem>>, %arg29: memref<!tpu.dma_semaphore, #tpu.memory_space<semaphore_mem>>, %arg30: memref<!tpu.dma_semaphore, #tpu.memory_space<semaphore_mem>>, %arg31: memref<!tpu.dma_semaphore, #tpu.memory_space<semaphore_mem>>, %arg32: memref<!tpu.dma_semaphore, #tpu.memory_space<semaphore_mem>>, %arg33: memref<!tpu.dma_semaphore, #tpu.memory_space<semaphore_mem>>, %arg34: memref<!tpu.dma_semaphore, #tpu.memory_space<semaphore_mem>>, %arg35: memref<!tpu.dma_semaphore, #tpu.memory_space<semaphore_mem>>, %arg36: memref<!tpu.dma_semaphore, #tpu.memory_space<semaphore_mem>>, %arg37: memref<!tpu.dma_semaphore, #tpu.memory_space<semaphore_mem>>, %arg38: memref<!tpu.dma_semaphore, #tpu.memory_space<semaphore_mem>>, %arg39: memref<!tpu.dma_semaphore, #tpu.memory_space<semaphore_mem>>, %arg40: memref<!tpu.dma_semaphore, #tpu.memory_space<semaphore_mem>>, %arg41: memref<!tpu.dma_semaphore, #tpu.memory_space<semaphore_mem>>, %arg42: memref<!tpu.dma_semaphore, #tpu.memory_space<semaphore_mem>>, %arg43: memref<!tpu.dma_semaphore, #tpu.memory_space<semaphore_mem>>, %arg44: memref<!tpu.dma_semaphore, #tpu.memory_space<semaphore_mem>>, %arg45: memref<!tpu.dma_semaphore, #tpu.memory_space<semaphore_mem>>, %arg46: memref<!tpu.dma_semaphore, #tpu.memory_space<semaphore_mem>>, %arg47: memref<!tpu.dma_semaphore, #tpu.memory_space<semaphore_mem>>) attributes {dimension_semantics = [#tpu.dimension_semantics<core_parallel>, #tpu.dimension_semantics<subcore_parallel>], iteration_bounds = array<i64: 2, 16>, scalar_prefetch = 0 : i64, scratch_operands = 43 : i64, tpu.core_type = #tpu.core_type<sc_vector_subcore>, window_params = [{transform_indices = #map}, {transform_indices = #map1}, {transform_indices = #map}]} {
    %mul3A = arith.constant 2 : i32
    %mul3A_0 = arith.muli %arg1, %mul3A : i32
    %add3A = arith.addi %mul3A_0, %arg0 : i32
    %mul3A_1 = arith.constant 6400 : i32
    %mul3A_2 = arith.muli %add3A, %mul3A_1 : i32
    "tpu.region"() ({
      %run_scoped3A = tpu.sem_alloc : memref<!tpu.dma_semaphore, #tpu.memory_space<semaphore_mem>>
      %dma_start3A_120 = tpu.memref_slice %arg3[%mul3A_2] : memref<204800xi32, #tpu.memory_space<hbm>> -> memref<6400xi32, #tpu.memory_space<hbm>>
      %dma_start3A_121 = tpu.memref_slice %arg3[%mul3A_2] : memref<204800xi32, #tpu.memory_space<hbm>> -> memref<6400xi32, #tpu.memory_space<hbm>>
      tpu.enqueue_dma source(%dma_start3A_121 : memref<6400xi32, #tpu.memory_space<hbm>>) target(%arg5 : memref<6400xi32, #tpu.memory_space<vmem>>) target_semaphore(%run_scoped3A : memref<!tpu.dma_semaphore, #tpu.memory_space<semaphore_mem>>)
      %dma_wait3A_122 = tpu.memref_slice %arg3[%mul3A_2] : memref<204800xi32, #tpu.memory_space<hbm>> -> memref<6400xi32, #tpu.memory_space<hbm>>
      %dma_wait3A_123 = tpu.memref_slice %arg3[%mul3A_2] : memref<204800xi32, #tpu.memory_space<hbm>> -> memref<6400xi32, #tpu.memory_space<hbm>>
      tpu.wait_dma2 semaphore(%run_scoped3A : memref<!tpu.dma_semaphore, #tpu.memory_space<semaphore_mem>>) src(%dma_wait3A_123 : memref<6400xi32, #tpu.memory_space<hbm>>) dst(%arg5 : memref<6400xi32, #tpu.memory_space<vmem>>)
      tpu.yield
    }) : () -> ()
    %dma_start3A = arith.constant 0 : i32
    %dma_start3A_3 = tpu.memref_slice %arg5[%dma_start3A] : memref<6400xi32, #tpu.memory_space<vmem>> -> memref<64xi32, #tpu.memory_space<vmem>>
    %dma_start3A_4 = arith.constant 0 : i32
    %dma_start3A_5 = arith.constant 0 : i32
    %dma_start3A_6 = tpu.memref_slice %arg2[%dma_start3A_4, %dma_start3A_5] : memref<100000x128xf32, #tpu.memory_space<hbm>> -> memref<100000x128xf32, #tpu.memory_space<hbm>>
    tpu.enqueue_indirect_dma source(%dma_start3A_6 : memref<100000x128xf32, #tpu.memory_space<hbm>>) target(%arg6 : memref<64x128xf32, #tpu.memory_space<vmem>>) offsets(%dma_start3A_3 : memref<64xi32, #tpu.memory_space<vmem>>) semaphore(%arg20 : memref<!tpu.dma_semaphore, #tpu.memory_space<semaphore_mem>>)
    %dma_start3A_7 = arith.constant 64 : i32
    %dma_start3A_8 = tpu.memref_slice %arg5[%dma_start3A_7] : memref<6400xi32, #tpu.memory_space<vmem>> -> memref<64xi32, #tpu.memory_space<vmem>>
    %dma_start3A_9 = arith.constant 0 : i32
    %dma_start3A_10 = arith.constant 0 : i32
    %dma_start3A_11 = tpu.memref_slice %arg2[%dma_start3A_9, %dma_start3A_10] : memref<100000x128xf32, #tpu.memory_space<hbm>> -> memref<100000x128xf32, #tpu.memory_space<hbm>>
    tpu.enqueue_indirect_dma source(%dma_start3A_11 : memref<100000x128xf32, #tpu.memory_space<hbm>>) target(%arg7 : memref<64x128xf32, #tpu.memory_space<vmem>>) offsets(%dma_start3A_8 : memref<64xi32, #tpu.memory_space<vmem>>) semaphore(%arg21 : memref<!tpu.dma_semaphore, #tpu.memory_space<semaphore_mem>>)
    %dma_start3A_12 = arith.constant 128 : i32
    %dma_start3A_13 = tpu.memref_slice %arg5[%dma_start3A_12] : memref<6400xi32, #tpu.memory_space<vmem>> -> memref<64xi32, #tpu.memory_space<vmem>>
    %dma_start3A_14 = arith.constant 0 : i32
    %dma_start3A_15 = arith.constant 0 : i32
    %dma_start3A_16 = tpu.memref_slice %arg2[%dma_start3A_14, %dma_start3A_15] : memref<100000x128xf32, #tpu.memory_space<hbm>> -> memref<100000x128xf32, #tpu.memory_space<hbm>>
    tpu.enqueue_indirect_dma source(%dma_start3A_16 : memref<100000x128xf32, #tpu.memory_space<hbm>>) target(%arg8 : memref<64x128xf32, #tpu.memory_space<vmem>>) offsets(%dma_start3A_13 : memref<64xi32, #tpu.memory_space<vmem>>) semaphore(%arg22 : memref<!tpu.dma_semaphore, #tpu.memory_space<semaphore_mem>>)
    %dma_start3A_17 = arith.constant 192 : i32
    %dma_start3A_18 = tpu.memref_slice %arg5[%dma_start3A_17] : memref<6400xi32, #tpu.memory_space<vmem>> -> memref<64xi32, #tpu.memory_space<vmem>>
    %dma_start3A_19 = arith.constant 0 : i32
    %dma_start3A_20 = arith.constant 0 : i32
    %dma_start3A_21 = tpu.memref_slice %arg2[%dma_start3A_19, %dma_start3A_20] : memref<100000x128xf32, #tpu.memory_space<hbm>> -> memref<100000x128xf32, #tpu.memory_space<hbm>>
    tpu.enqueue_indirect_dma source(%dma_start3A_21 : memref<100000x128xf32, #tpu.memory_space<hbm>>) target(%arg9 : memref<64x128xf32, #tpu.memory_space<vmem>>) offsets(%dma_start3A_18 : memref<64xi32, #tpu.memory_space<vmem>>) semaphore(%arg23 : memref<!tpu.dma_semaphore, #tpu.memory_space<semaphore_mem>>)
    %dma_start3A_22 = arith.constant 256 : i32
    %dma_start3A_23 = tpu.memref_slice %arg5[%dma_start3A_22] : memref<6400xi32, #tpu.memory_space<vmem>> -> memref<64xi32, #tpu.memory_space<vmem>>
    %dma_start3A_24 = arith.constant 0 : i32
    %dma_start3A_25 = arith.constant 0 : i32
    %dma_start3A_26 = tpu.memref_slice %arg2[%dma_start3A_24, %dma_start3A_25] : memref<100000x128xf32, #tpu.memory_space<hbm>> -> memref<100000x128xf32, #tpu.memory_space<hbm>>
    tpu.enqueue_indirect_dma source(%dma_start3A_26 : memref<100000x128xf32, #tpu.memory_space<hbm>>) target(%arg10 : memref<64x128xf32, #tpu.memory_space<vmem>>) offsets(%dma_start3A_23 : memref<64xi32, #tpu.memory_space<vmem>>) semaphore(%arg24 : memref<!tpu.dma_semaphore, #tpu.memory_space<semaphore_mem>>)
    %dma_start3A_27 = arith.constant 320 : i32
    %dma_start3A_28 = tpu.memref_slice %arg5[%dma_start3A_27] : memref<6400xi32, #tpu.memory_space<vmem>> -> memref<64xi32, #tpu.memory_space<vmem>>
    %dma_start3A_29 = arith.constant 0 : i32
    %dma_start3A_30 = arith.constant 0 : i32
    %dma_start3A_31 = tpu.memref_slice %arg2[%dma_start3A_29, %dma_start3A_30] : memref<100000x128xf32, #tpu.memory_space<hbm>> -> memref<100000x128xf32, #tpu.memory_space<hbm>>
    tpu.enqueue_indirect_dma source(%dma_start3A_31 : memref<100000x128xf32, #tpu.memory_space<hbm>>) target(%arg11 : memref<64x128xf32, #tpu.memory_space<vmem>>) offsets(%dma_start3A_28 : memref<64xi32, #tpu.memory_space<vmem>>) semaphore(%arg25 : memref<!tpu.dma_semaphore, #tpu.memory_space<semaphore_mem>>)
    %dma_start3A_32 = arith.constant 384 : i32
    %dma_start3A_33 = tpu.memref_slice %arg5[%dma_start3A_32] : memref<6400xi32, #tpu.memory_space<vmem>> -> memref<64xi32, #tpu.memory_space<vmem>>
    %dma_start3A_34 = arith.constant 0 : i32
    %dma_start3A_35 = arith.constant 0 : i32
    %dma_start3A_36 = tpu.memref_slice %arg2[%dma_start3A_34, %dma_start3A_35] : memref<100000x128xf32, #tpu.memory_space<hbm>> -> memref<100000x128xf32, #tpu.memory_space<hbm>>
    tpu.enqueue_indirect_dma source(%dma_start3A_36 : memref<100000x128xf32, #tpu.memory_space<hbm>>) target(%arg12 : memref<64x128xf32, #tpu.memory_space<vmem>>) offsets(%dma_start3A_33 : memref<64xi32, #tpu.memory_space<vmem>>) semaphore(%arg26 : memref<!tpu.dma_semaphore, #tpu.memory_space<semaphore_mem>>)
    %scan3A = arith.constant 0 : i32
    %scan3A_37 = arith.constant 7 : i32
    %scan3A_38 = arith.addi %scan3A, %scan3A_37 : i32
    %scan3A_39 = arith.constant 1 : i32
    scf.for %scan3A_120 = %scan3A to %scan3A_38 step %scan3A_39  : i32 {
      %mul3A_121 = arith.constant 14 : i32
      %mul3A_122 = arith.muli %scan3A_120, %mul3A_121 : i32
      %add3A_123 = arith.constant 0 : i32
      %add3A_124 = arith.addi %add3A_123, %mul3A_122 : i32
      %add3A_125 = arith.constant 0 : i32
      %add3A_126 = arith.addi %add3A_124, %add3A_125 : i32
      %dma_wait3A_127 = arith.constant 0 : i32
      %dma_wait3A_128 = arith.constant 0 : i32
      %dma_wait3A_129 = tpu.memref_slice %arg2[%dma_wait3A_127, %dma_wait3A_128] : memref<100000x128xf32, #tpu.memory_space<hbm>> -> memref<64x128xf32, #tpu.memory_space<hbm>>
      %dma_wait3A_130 = arith.constant 0 : i32
      %dma_wait3A_131 = arith.constant 0 : i32
      %dma_wait3A_132 = tpu.memref_slice %arg2[%dma_wait3A_130, %dma_wait3A_131] : memref<100000x128xf32, #tpu.memory_space<hbm>> -> memref<64x128xf32, #tpu.memory_space<hbm>>
      tpu.wait_dma2 semaphore(%arg20 : memref<!tpu.dma_semaphore, #tpu.memory_space<semaphore_mem>>) src(%dma_wait3A_132 : memref<64x128xf32, #tpu.memory_space<hbm>>) dst(%arg6 : memref<64x128xf32, #tpu.memory_space<vmem>>)
      %mul3A_133 = arith.constant 64 : i32
      %mul3A_134 = arith.muli %add3A_126, %mul3A_133 : i32
      %add3A_135 = arith.addi %mul3A_2, %mul3A_134 : i32
      %dma_start3A_136 = arith.constant 0 : i32
      %dma_start3A_137 = tpu.memref_slice %arg4[%add3A_135, %dma_start3A_136] : memref<204800x128xf32, #tpu.memory_space<hbm>> -> memref<64x128xf32, #tpu.memory_space<hbm>>
      %dma_start3A_138 = arith.constant 0 : i32
      %dma_start3A_139 = tpu.memref_slice %arg4[%add3A_135, %dma_start3A_138] : memref<204800x128xf32, #tpu.memory_space<hbm>> -> memref<64x128xf32, #tpu.memory_space<hbm>>
      tpu.enqueue_dma source(%arg6 : memref<64x128xf32, #tpu.memory_space<vmem>>) target(%dma_start3A_139 : memref<64x128xf32, #tpu.memory_space<hbm>>) target_semaphore(%arg34 : memref<!tpu.dma_semaphore, #tpu.memory_space<semaphore_mem>>)
      %le3A = arith.constant 92 : i32
      %le3A_140 = arith.cmpi sle, %add3A_126, %le3A : i32
      %convert_element_type3A = arith.extui %le3A_140 : i1 to i32
      %cond3A = arith.constant 0 : i32
      %cond3A_141 = arith.cmpi ne, %convert_element_type3A, %cond3A : i32
      scf.if %cond3A_141 {
        %ge3A = arith.constant 7 : i32
        %ge3A_402 = arith.cmpi sge, %add3A_126, %ge3A : i32
        %convert_element_type3A_403 = arith.extui %ge3A_402 : i1 to i32
        %cond3A_404 = arith.constant 0 : i32
        %cond3A_405 = arith.cmpi ne, %convert_element_type3A_403, %cond3A_404 : i32
        scf.if %cond3A_405 {
          %dma_wait3A_414 = arith.constant 0 : i32
          %dma_wait3A_415 = tpu.memref_slice %arg4[%mul3A_2, %dma_wait3A_414] : memref<204800x128xf32, #tpu.memory_space<hbm>> -> memref<64x128xf32, #tpu.memory_space<hbm>>
          %dma_wait3A_416 = arith.constant 0 : i32
          %dma_wait3A_417 = tpu.memref_slice %arg4[%mul3A_2, %dma_wait3A_416] : memref<204800x128xf32, #tpu.memory_space<hbm>> -> memref<64x128xf32, #tpu.memory_space<hbm>>
          tpu.wait_dma2 semaphore(%arg41 : memref<!tpu.dma_semaphore, #tpu.memory_space<semaphore_mem>>) src(%arg13 : memref<64x128xf32, #tpu.memory_space<vmem>>) dst(%dma_wait3A_417 : memref<64x128xf32, #tpu.memory_space<hbm>>)
        } else {
        }
        %add3A_406 = arith.constant 7 : i32
        %add3A_407 = arith.addi %add3A_126, %add3A_406 : i32
        %mul3A_408 = arith.constant 64 : i32
        %mul3A_409 = arith.muli %add3A_407, %mul3A_408 : i32
        %dma_start3A_410 = tpu.memref_slice %arg5[%mul3A_409] : memref<6400xi32, #tpu.memory_space<vmem>> -> memref<64xi32, #tpu.memory_space<vmem>>
        %dma_start3A_411 = arith.constant 0 : i32
        %dma_start3A_412 = arith.constant 0 : i32
        %dma_start3A_413 = tpu.memref_slice %arg2[%dma_start3A_411, %dma_start3A_412] : memref<100000x128xf32, #tpu.memory_space<hbm>> -> memref<100000x128xf32, #tpu.memory_space<hbm>>
        tpu.enqueue_indirect_dma source(%dma_start3A_413 : memref<100000x128xf32, #tpu.memory_space<hbm>>) target(%arg13 : memref<64x128xf32, #tpu.memory_space<vmem>>) offsets(%dma_start3A_410 : memref<64xi32, #tpu.memory_space<vmem>>) semaphore(%arg27 : memref<!tpu.dma_semaphore, #tpu.memory_space<semaphore_mem>>)
      } else {
      }
      %add3A_142 = arith.constant 1 : i32
      %add3A_143 = arith.addi %add3A_124, %add3A_142 : i32
      %dma_wait3A_144 = arith.constant 0 : i32
      %dma_wait3A_145 = arith.constant 0 : i32
      %dma_wait3A_146 = tpu.memref_slice %arg2[%dma_wait3A_144, %dma_wait3A_145] : memref<100000x128xf32, #tpu.memory_space<hbm>> -> memref<64x128xf32, #tpu.memory_space<hbm>>
      %dma_wait3A_147 = arith.constant 0 : i32
      %dma_wait3A_148 = arith.constant 0 : i32
      %dma_wait3A_149 = tpu.memref_slice %arg2[%dma_wait3A_147, %dma_wait3A_148] : memref<100000x128xf32, #tpu.memory_space<hbm>> -> memref<64x128xf32, #tpu.memory_space<hbm>>
      tpu.wait_dma2 semaphore(%arg21 : memref<!tpu.dma_semaphore, #tpu.memory_space<semaphore_mem>>) src(%dma_wait3A_149 : memref<64x128xf32, #tpu.memory_space<hbm>>) dst(%arg7 : memref<64x128xf32, #tpu.memory_space<vmem>>)
      %mul3A_150 = arith.constant 64 : i32
      %mul3A_151 = arith.muli %add3A_143, %mul3A_150 : i32
      %add3A_152 = arith.addi %mul3A_2, %mul3A_151 : i32
      %dma_start3A_153 = arith.constant 0 : i32
      %dma_start3A_154 = tpu.memref_slice %arg4[%add3A_152, %dma_start3A_153] : memref<204800x128xf32, #tpu.memory_space<hbm>> -> memref<64x128xf32, #tpu.memory_space<hbm>>
      %dma_start3A_155 = arith.constant 0 : i32
      %dma_start3A_156 = tpu.memref_slice %arg4[%add3A_152, %dma_start3A_155] : memref<204800x128xf32, #tpu.memory_space<hbm>> -> memref<64x128xf32, #tpu.memory_space<hbm>>
      tpu.enqueue_dma source(%arg7 : memref<64x128xf32, #tpu.memory_space<vmem>>) target(%dma_start3A_156 : memref<64x128xf32, #tpu.memory_space<hbm>>) target_semaphore(%arg35 : memref<!tpu.dma_semaphore, #tpu.memory_space<semaphore_mem>>)
      %le3A_157 = arith.constant 92 : i32
      %le3A_158 = arith.cmpi sle, %add3A_143, %le3A_157 : i32
      %convert_element_type3A_159 = arith.extui %le3A_158 : i1 to i32
      %cond3A_160 = arith.constant 0 : i32
      %cond3A_161 = arith.cmpi ne, %convert_element_type3A_159, %cond3A_160 : i32
      scf.if %cond3A_161 {
        %ge3A = arith.constant 7 : i32
        %ge3A_402 = arith.cmpi sge, %add3A_143, %ge3A : i32
        %convert_element_type3A_403 = arith.extui %ge3A_402 : i1 to i32
        %cond3A_404 = arith.constant 0 : i32
        %cond3A_405 = arith.cmpi ne, %convert_element_type3A_403, %cond3A_404 : i32
        scf.if %cond3A_405 {
          %dma_wait3A_414 = arith.constant 0 : i32
          %dma_wait3A_415 = tpu.memref_slice %arg4[%mul3A_2, %dma_wait3A_414] : memref<204800x128xf32, #tpu.memory_space<hbm>> -> memref<64x128xf32, #tpu.memory_space<hbm>>
          %dma_wait3A_416 = arith.constant 0 : i32
          %dma_wait3A_417 = tpu.memref_slice %arg4[%mul3A_2, %dma_wait3A_416] : memref<204800x128xf32, #tpu.memory_space<hbm>> -> memref<64x128xf32, #tpu.memory_space<hbm>>
          tpu.wait_dma2 semaphore(%arg42 : memref<!tpu.dma_semaphore, #tpu.memory_space<semaphore_mem>>) src(%arg14 : memref<64x128xf32, #tpu.memory_space<vmem>>) dst(%dma_wait3A_417 : memref<64x128xf32, #tpu.memory_space<hbm>>)
        } else {
        }
        %add3A_406 = arith.constant 7 : i32
        %add3A_407 = arith.addi %add3A_143, %add3A_406 : i32
        %mul3A_408 = arith.constant 64 : i32
        %mul3A_409 = arith.muli %add3A_407, %mul3A_408 : i32
        %dma_start3A_410 = tpu.memref_slice %arg5[%mul3A_409] : memref<6400xi32, #tpu.memory_space<vmem>> -> memref<64xi32, #tpu.memory_space<vmem>>
        %dma_start3A_411 = arith.constant 0 : i32
        %dma_start3A_412 = arith.constant 0 : i32
        %dma_start3A_413 = tpu.memref_slice %arg2[%dma_start3A_411, %dma_start3A_412] : memref<100000x128xf32, #tpu.memory_space<hbm>> -> memref<100000x128xf32, #tpu.memory_space<hbm>>
        tpu.enqueue_indirect_dma source(%dma_start3A_413 : memref<100000x128xf32, #tpu.memory_space<hbm>>) target(%arg14 : memref<64x128xf32, #tpu.memory_space<vmem>>) offsets(%dma_start3A_410 : memref<64xi32, #tpu.memory_space<vmem>>) semaphore(%arg28 : memref<!tpu.dma_semaphore, #tpu.memory_space<semaphore_mem>>)
      } else {
      }
      %add3A_162 = arith.constant 2 : i32
      %add3A_163 = arith.addi %add3A_124, %add3A_162 : i32
      %dma_wait3A_164 = arith.constant 0 : i32
      %dma_wait3A_165 = arith.constant 0 : i32
      %dma_wait3A_166 = tpu.memref_slice %arg2[%dma_wait3A_164, %dma_wait3A_165] : memref<100000x128xf32, #tpu.memory_space<hbm>> -> memref<64x128xf32, #tpu.memory_space<hbm>>
      %dma_wait3A_167 = arith.constant 0 : i32
      %dma_wait3A_168 = arith.constant 0 : i32
      %dma_wait3A_169 = tpu.memref_slice %arg2[%dma_wait3A_167, %dma_wait3A_168] : memref<100000x128xf32, #tpu.memory_space<hbm>> -> memref<64x128xf32, #tpu.memory_space<hbm>>
      tpu.wait_dma2 semaphore(%arg22 : memref<!tpu.dma_semaphore, #tpu.memory_space<semaphore_mem>>) src(%dma_wait3A_169 : memref<64x128xf32, #tpu.memory_space<hbm>>) dst(%arg8 : memref<64x128xf32, #tpu.memory_space<vmem>>)
      %mul3A_170 = arith.constant 64 : i32
      %mul3A_171 = arith.muli %add3A_163, %mul3A_170 : i32
      %add3A_172 = arith.addi %mul3A_2, %mul3A_171 : i32
      %dma_start3A_173 = arith.constant 0 : i32
      %dma_start3A_174 = tpu.memref_slice %arg4[%add3A_172, %dma_start3A_173] : memref<204800x128xf32, #tpu.memory_space<hbm>> -> memref<64x128xf32, #tpu.memory_space<hbm>>
      %dma_start3A_175 = arith.constant 0 : i32
      %dma_start3A_176 = tpu.memref_slice %arg4[%add3A_172, %dma_start3A_175] : memref<204800x128xf32, #tpu.memory_space<hbm>> -> memref<64x128xf32, #tpu.memory_space<hbm>>
      tpu.enqueue_dma source(%arg8 : memref<64x128xf32, #tpu.memory_space<vmem>>) target(%dma_start3A_176 : memref<64x128xf32, #tpu.memory_space<hbm>>) target_semaphore(%arg36 : memref<!tpu.dma_semaphore, #tpu.memory_space<semaphore_mem>>)
      %le3A_177 = arith.constant 92 : i32
      %le3A_178 = arith.cmpi sle, %add3A_163, %le3A_177 : i32
      %convert_element_type3A_179 = arith.extui %le3A_178 : i1 to i32
      %cond3A_180 = arith.constant 0 : i32
      %cond3A_181 = arith.cmpi ne, %convert_element_type3A_179, %cond3A_180 : i32
      scf.if %cond3A_181 {
        %ge3A = arith.constant 7 : i32
        %ge3A_402 = arith.cmpi sge, %add3A_163, %ge3A : i32
        %convert_element_type3A_403 = arith.extui %ge3A_402 : i1 to i32
        %cond3A_404 = arith.constant 0 : i32
        %cond3A_405 = arith.cmpi ne, %convert_element_type3A_403, %cond3A_404 : i32
        scf.if %cond3A_405 {
          %dma_wait3A_414 = arith.constant 0 : i32
          %dma_wait3A_415 = tpu.memref_slice %arg4[%mul3A_2, %dma_wait3A_414] : memref<204800x128xf32, #tpu.memory_space<hbm>> -> memref<64x128xf32, #tpu.memory_space<hbm>>
          %dma_wait3A_416 = arith.constant 0 : i32
          %dma_wait3A_417 = tpu.memref_slice %arg4[%mul3A_2, %dma_wait3A_416] : memref<204800x128xf32, #tpu.memory_space<hbm>> -> memref<64x128xf32, #tpu.memory_space<hbm>>
          tpu.wait_dma2 semaphore(%arg43 : memref<!tpu.dma_semaphore, #tpu.memory_space<semaphore_mem>>) src(%arg15 : memref<64x128xf32, #tpu.memory_space<vmem>>) dst(%dma_wait3A_417 : memref<64x128xf32, #tpu.memory_space<hbm>>)
        } else {
        }
        %add3A_406 = arith.constant 7 : i32
        %add3A_407 = arith.addi %add3A_163, %add3A_406 : i32
        %mul3A_408 = arith.constant 64 : i32
        %mul3A_409 = arith.muli %add3A_407, %mul3A_408 : i32
        %dma_start3A_410 = tpu.memref_slice %arg5[%mul3A_409] : memref<6400xi32, #tpu.memory_space<vmem>> -> memref<64xi32, #tpu.memory_space<vmem>>
        %dma_start3A_411 = arith.constant 0 : i32
        %dma_start3A_412 = arith.constant 0 : i32
        %dma_start3A_413 = tpu.memref_slice %arg2[%dma_start3A_411, %dma_start3A_412] : memref<100000x128xf32, #tpu.memory_space<hbm>> -> memref<100000x128xf32, #tpu.memory_space<hbm>>
        tpu.enqueue_indirect_dma source(%dma_start3A_413 : memref<100000x128xf32, #tpu.memory_space<hbm>>) target(%arg15 : memref<64x128xf32, #tpu.memory_space<vmem>>) offsets(%dma_start3A_410 : memref<64xi32, #tpu.memory_space<vmem>>) semaphore(%arg29 : memref<!tpu.dma_semaphore, #tpu.memory_space<semaphore_mem>>)
      } else {
      }
      %add3A_182 = arith.constant 3 : i32
      %add3A_183 = arith.addi %add3A_124, %add3A_182 : i32
      %dma_wait3A_184 = arith.constant 0 : i32
      %dma_wait3A_185 = arith.constant 0 : i32
      %dma_wait3A_186 = tpu.memref_slice %arg2[%dma_wait3A_184, %dma_wait3A_185] : memref<100000x128xf32, #tpu.memory_space<hbm>> -> memref<64x128xf32, #tpu.memory_space<hbm>>
      %dma_wait3A_187 = arith.constant 0 : i32
      %dma_wait3A_188 = arith.constant 0 : i32
      %dma_wait3A_189 = tpu.memref_slice %arg2[%dma_wait3A_187, %dma_wait3A_188] : memref<100000x128xf32, #tpu.memory_space<hbm>> -> memref<64x128xf32, #tpu.memory_space<hbm>>
      tpu.wait_dma2 semaphore(%arg23 : memref<!tpu.dma_semaphore, #tpu.memory_space<semaphore_mem>>) src(%dma_wait3A_189 : memref<64x128xf32, #tpu.memory_space<hbm>>) dst(%arg9 : memref<64x128xf32, #tpu.memory_space<vmem>>)
      %mul3A_190 = arith.constant 64 : i32
      %mul3A_191 = arith.muli %add3A_183, %mul3A_190 : i32
      %add3A_192 = arith.addi %mul3A_2, %mul3A_191 : i32
      %dma_start3A_193 = arith.constant 0 : i32
      %dma_start3A_194 = tpu.memref_slice %arg4[%add3A_192, %dma_start3A_193] : memref<204800x128xf32, #tpu.memory_space<hbm>> -> memref<64x128xf32, #tpu.memory_space<hbm>>
      %dma_start3A_195 = arith.constant 0 : i32
      %dma_start3A_196 = tpu.memref_slice %arg4[%add3A_192, %dma_start3A_195] : memref<204800x128xf32, #tpu.memory_space<hbm>> -> memref<64x128xf32, #tpu.memory_space<hbm>>
      tpu.enqueue_dma source(%arg9 : memref<64x128xf32, #tpu.memory_space<vmem>>) target(%dma_start3A_196 : memref<64x128xf32, #tpu.memory_space<hbm>>) target_semaphore(%arg37 : memref<!tpu.dma_semaphore, #tpu.memory_space<semaphore_mem>>)
      %le3A_197 = arith.constant 92 : i32
      %le3A_198 = arith.cmpi sle, %add3A_183, %le3A_197 : i32
      %convert_element_type3A_199 = arith.extui %le3A_198 : i1 to i32
      %cond3A_200 = arith.constant 0 : i32
      %cond3A_201 = arith.cmpi ne, %convert_element_type3A_199, %cond3A_200 : i32
      scf.if %cond3A_201 {
        %ge3A = arith.constant 7 : i32
        %ge3A_402 = arith.cmpi sge, %add3A_183, %ge3A : i32
        %convert_element_type3A_403 = arith.extui %ge3A_402 : i1 to i32
        %cond3A_404 = arith.constant 0 : i32
        %cond3A_405 = arith.cmpi ne, %convert_element_type3A_403, %cond3A_404 : i32
        scf.if %cond3A_405 {
          %dma_wait3A_414 = arith.constant 0 : i32
          %dma_wait3A_415 = tpu.memref_slice %arg4[%mul3A_2, %dma_wait3A_414] : memref<204800x128xf32, #tpu.memory_space<hbm>> -> memref<64x128xf32, #tpu.memory_space<hbm>>
          %dma_wait3A_416 = arith.constant 0 : i32
          %dma_wait3A_417 = tpu.memref_slice %arg4[%mul3A_2, %dma_wait3A_416] : memref<204800x128xf32, #tpu.memory_space<hbm>> -> memref<64x128xf32, #tpu.memory_space<hbm>>
          tpu.wait_dma2 semaphore(%arg44 : memref<!tpu.dma_semaphore, #tpu.memory_space<semaphore_mem>>) src(%arg16 : memref<64x128xf32, #tpu.memory_space<vmem>>) dst(%dma_wait3A_417 : memref<64x128xf32, #tpu.memory_space<hbm>>)
        } else {
        }
        %add3A_406 = arith.constant 7 : i32
        %add3A_407 = arith.addi %add3A_183, %add3A_406 : i32
        %mul3A_408 = arith.constant 64 : i32
        %mul3A_409 = arith.muli %add3A_407, %mul3A_408 : i32
        %dma_start3A_410 = tpu.memref_slice %arg5[%mul3A_409] : memref<6400xi32, #tpu.memory_space<vmem>> -> memref<64xi32, #tpu.memory_space<vmem>>
        %dma_start3A_411 = arith.constant 0 : i32
        %dma_start3A_412 = arith.constant 0 : i32
        %dma_start3A_413 = tpu.memref_slice %arg2[%dma_start3A_411, %dma_start3A_412] : memref<100000x128xf32, #tpu.memory_space<hbm>> -> memref<100000x128xf32, #tpu.memory_space<hbm>>
        tpu.enqueue_indirect_dma source(%dma_start3A_413 : memref<100000x128xf32, #tpu.memory_space<hbm>>) target(%arg16 : memref<64x128xf32, #tpu.memory_space<vmem>>) offsets(%dma_start3A_410 : memref<64xi32, #tpu.memory_space<vmem>>) semaphore(%arg30 : memref<!tpu.dma_semaphore, #tpu.memory_space<semaphore_mem>>)
      } else {
      }
      %add3A_202 = arith.constant 4 : i32
      %add3A_203 = arith.addi %add3A_124, %add3A_202 : i32
      %dma_wait3A_204 = arith.constant 0 : i32
      %dma_wait3A_205 = arith.constant 0 : i32
      %dma_wait3A_206 = tpu.memref_slice %arg2[%dma_wait3A_204, %dma_wait3A_205] : memref<100000x128xf32, #tpu.memory_space<hbm>> -> memref<64x128xf32, #tpu.memory_space<hbm>>
      %dma_wait3A_207 = arith.constant 0 : i32
      %dma_wait3A_208 = arith.constant 0 : i32
      %dma_wait3A_209 = tpu.memref_slice %arg2[%dma_wait3A_207, %dma_wait3A_208] : memref<100000x128xf32, #tpu.memory_space<hbm>> -> memref<64x128xf32, #tpu.memory_space<hbm>>
      tpu.wait_dma2 semaphore(%arg24 : memref<!tpu.dma_semaphore, #tpu.memory_space<semaphore_mem>>) src(%dma_wait3A_209 : memref<64x128xf32, #tpu.memory_space<hbm>>) dst(%arg10 : memref<64x128xf32, #tpu.memory_space<vmem>>)
      %mul3A_210 = arith.constant 64 : i32
      %mul3A_211 = arith.muli %add3A_203, %mul3A_210 : i32
      %add3A_212 = arith.addi %mul3A_2, %mul3A_211 : i32
      %dma_start3A_213 = arith.constant 0 : i32
      %dma_start3A_214 = tpu.memref_slice %arg4[%add3A_212, %dma_start3A_213] : memref<204800x128xf32, #tpu.memory_space<hbm>> -> memref<64x128xf32, #tpu.memory_space<hbm>>
      %dma_start3A_215 = arith.constant 0 : i32
      %dma_start3A_216 = tpu.memref_slice %arg4[%add3A_212, %dma_start3A_215] : memref<204800x128xf32, #tpu.memory_space<hbm>> -> memref<64x128xf32, #tpu.memory_space<hbm>>
      tpu.enqueue_dma source(%arg10 : memref<64x128xf32, #tpu.memory_space<vmem>>) target(%dma_start3A_216 : memref<64x128xf32, #tpu.memory_space<hbm>>) target_semaphore(%arg38 : memref<!tpu.dma_semaphore, #tpu.memory_space<semaphore_mem>>)
      %le3A_217 = arith.constant 92 : i32
      %le3A_218 = arith.cmpi sle, %add3A_203, %le3A_217 : i32
      %convert_element_type3A_219 = arith.extui %le3A_218 : i1 to i32
      %cond3A_220 = arith.constant 0 : i32
      %cond3A_221 = arith.cmpi ne, %convert_element_type3A_219, %cond3A_220 : i32
      scf.if %cond3A_221 {
        %ge3A = arith.constant 7 : i32
        %ge3A_402 = arith.cmpi sge, %add3A_203, %ge3A : i32
        %convert_element_type3A_403 = arith.extui %ge3A_402 : i1 to i32
        %cond3A_404 = arith.constant 0 : i32
        %cond3A_405 = arith.cmpi ne, %convert_element_type3A_403, %cond3A_404 : i32
        scf.if %cond3A_405 {
          %dma_wait3A_414 = arith.constant 0 : i32
          %dma_wait3A_415 = tpu.memref_slice %arg4[%mul3A_2, %dma_wait3A_414] : memref<204800x128xf32, #tpu.memory_space<hbm>> -> memref<64x128xf32, #tpu.memory_space<hbm>>
          %dma_wait3A_416 = arith.constant 0 : i32
          %dma_wait3A_417 = tpu.memref_slice %arg4[%mul3A_2, %dma_wait3A_416] : memref<204800x128xf32, #tpu.memory_space<hbm>> -> memref<64x128xf32, #tpu.memory_space<hbm>>
          tpu.wait_dma2 semaphore(%arg45 : memref<!tpu.dma_semaphore, #tpu.memory_space<semaphore_mem>>) src(%arg17 : memref<64x128xf32, #tpu.memory_space<vmem>>) dst(%dma_wait3A_417 : memref<64x128xf32, #tpu.memory_space<hbm>>)
        } else {
        }
        %add3A_406 = arith.constant 7 : i32
        %add3A_407 = arith.addi %add3A_203, %add3A_406 : i32
        %mul3A_408 = arith.constant 64 : i32
        %mul3A_409 = arith.muli %add3A_407, %mul3A_408 : i32
        %dma_start3A_410 = tpu.memref_slice %arg5[%mul3A_409] : memref<6400xi32, #tpu.memory_space<vmem>> -> memref<64xi32, #tpu.memory_space<vmem>>
        %dma_start3A_411 = arith.constant 0 : i32
        %dma_start3A_412 = arith.constant 0 : i32
        %dma_start3A_413 = tpu.memref_slice %arg2[%dma_start3A_411, %dma_start3A_412] : memref<100000x128xf32, #tpu.memory_space<hbm>> -> memref<100000x128xf32, #tpu.memory_space<hbm>>
        tpu.enqueue_indirect_dma source(%dma_start3A_413 : memref<100000x128xf32, #tpu.memory_space<hbm>>) target(%arg17 : memref<64x128xf32, #tpu.memory_space<vmem>>) offsets(%dma_start3A_410 : memref<64xi32, #tpu.memory_space<vmem>>) semaphore(%arg31 : memref<!tpu.dma_semaphore, #tpu.memory_space<semaphore_mem>>)
      } else {
      }
      %add3A_222 = arith.constant 5 : i32
      %add3A_223 = arith.addi %add3A_124, %add3A_222 : i32
      %dma_wait3A_224 = arith.constant 0 : i32
      %dma_wait3A_225 = arith.constant 0 : i32
      %dma_wait3A_226 = tpu.memref_slice %arg2[%dma_wait3A_224, %dma_wait3A_225] : memref<100000x128xf32, #tpu.memory_space<hbm>> -> memref<64x128xf32, #tpu.memory_space<hbm>>
      %dma_wait3A_227 = arith.constant 0 : i32
      %dma_wait3A_228 = arith.constant 0 : i32
      %dma_wait3A_229 = tpu.memref_slice %arg2[%dma_wait3A_227, %dma_wait3A_228] : memref<100000x128xf32, #tpu.memory_space<hbm>> -> memref<64x128xf32, #tpu.memory_space<hbm>>
      tpu.wait_dma2 semaphore(%arg25 : memref<!tpu.dma_semaphore, #tpu.memory_space<semaphore_mem>>) src(%dma_wait3A_229 : memref<64x128xf32, #tpu.memory_space<hbm>>) dst(%arg11 : memref<64x128xf32, #tpu.memory_space<vmem>>)
      %mul3A_230 = arith.constant 64 : i32
      %mul3A_231 = arith.muli %add3A_223, %mul3A_230 : i32
      %add3A_232 = arith.addi %mul3A_2, %mul3A_231 : i32
      %dma_start3A_233 = arith.constant 0 : i32
      %dma_start3A_234 = tpu.memref_slice %arg4[%add3A_232, %dma_start3A_233] : memref<204800x128xf32, #tpu.memory_space<hbm>> -> memref<64x128xf32, #tpu.memory_space<hbm>>
      %dma_start3A_235 = arith.constant 0 : i32
      %dma_start3A_236 = tpu.memref_slice %arg4[%add3A_232, %dma_start3A_235] : memref<204800x128xf32, #tpu.memory_space<hbm>> -> memref<64x128xf32, #tpu.memory_space<hbm>>
      tpu.enqueue_dma source(%arg11 : memref<64x128xf32, #tpu.memory_space<vmem>>) target(%dma_start3A_236 : memref<64x128xf32, #tpu.memory_space<hbm>>) target_semaphore(%arg39 : memref<!tpu.dma_semaphore, #tpu.memory_space<semaphore_mem>>)
      %le3A_237 = arith.constant 92 : i32
      %le3A_238 = arith.cmpi sle, %add3A_223, %le3A_237 : i32
      %convert_element_type3A_239 = arith.extui %le3A_238 : i1 to i32
      %cond3A_240 = arith.constant 0 : i32
      %cond3A_241 = arith.cmpi ne, %convert_element_type3A_239, %cond3A_240 : i32
      scf.if %cond3A_241 {
        %ge3A = arith.constant 7 : i32
        %ge3A_402 = arith.cmpi sge, %add3A_223, %ge3A : i32
        %convert_element_type3A_403 = arith.extui %ge3A_402 : i1 to i32
        %cond3A_404 = arith.constant 0 : i32
        %cond3A_405 = arith.cmpi ne, %convert_element_type3A_403, %cond3A_404 : i32
        scf.if %cond3A_405 {
          %dma_wait3A_414 = arith.constant 0 : i32
          %dma_wait3A_415 = tpu.memref_slice %arg4[%mul3A_2, %dma_wait3A_414] : memref<204800x128xf32, #tpu.memory_space<hbm>> -> memref<64x128xf32, #tpu.memory_space<hbm>>
          %dma_wait3A_416 = arith.constant 0 : i32
          %dma_wait3A_417 = tpu.memref_slice %arg4[%mul3A_2, %dma_wait3A_416] : memref<204800x128xf32, #tpu.memory_space<hbm>> -> memref<64x128xf32, #tpu.memory_space<hbm>>
          tpu.wait_dma2 semaphore(%arg46 : memref<!tpu.dma_semaphore, #tpu.memory_space<semaphore_mem>>) src(%arg18 : memref<64x128xf32, #tpu.memory_space<vmem>>) dst(%dma_wait3A_417 : memref<64x128xf32, #tpu.memory_space<hbm>>)
        } else {
        }
        %add3A_406 = arith.constant 7 : i32
        %add3A_407 = arith.addi %add3A_223, %add3A_406 : i32
        %mul3A_408 = arith.constant 64 : i32
        %mul3A_409 = arith.muli %add3A_407, %mul3A_408 : i32
        %dma_start3A_410 = tpu.memref_slice %arg5[%mul3A_409] : memref<6400xi32, #tpu.memory_space<vmem>> -> memref<64xi32, #tpu.memory_space<vmem>>
        %dma_start3A_411 = arith.constant 0 : i32
        %dma_start3A_412 = arith.constant 0 : i32
        %dma_start3A_413 = tpu.memref_slice %arg2[%dma_start3A_411, %dma_start3A_412] : memref<100000x128xf32, #tpu.memory_space<hbm>> -> memref<100000x128xf32, #tpu.memory_space<hbm>>
        tpu.enqueue_indirect_dma source(%dma_start3A_413 : memref<100000x128xf32, #tpu.memory_space<hbm>>) target(%arg18 : memref<64x128xf32, #tpu.memory_space<vmem>>) offsets(%dma_start3A_410 : memref<64xi32, #tpu.memory_space<vmem>>) semaphore(%arg32 : memref<!tpu.dma_semaphore, #tpu.memory_space<semaphore_mem>>)
      } else {
      }
      %add3A_242 = arith.constant 6 : i32
      %add3A_243 = arith.addi %add3A_124, %add3A_242 : i32
      %dma_wait3A_244 = arith.constant 0 : i32
      %dma_wait3A_245 = arith.constant 0 : i32
      %dma_wait3A_246 = tpu.memref_slice %arg2[%dma_wait3A_244, %dma_wait3A_245] : memref<100000x128xf32, #tpu.memory_space<hbm>> -> memref<64x128xf32, #tpu.memory_space<hbm>>
      %dma_wait3A_247 = arith.constant 0 : i32
      %dma_wait3A_248 = arith.constant 0 : i32
      %dma_wait3A_249 = tpu.memref_slice %arg2[%dma_wait3A_247, %dma_wait3A_248] : memref<100000x128xf32, #tpu.memory_space<hbm>> -> memref<64x128xf32, #tpu.memory_space<hbm>>
      tpu.wait_dma2 semaphore(%arg26 : memref<!tpu.dma_semaphore, #tpu.memory_space<semaphore_mem>>) src(%dma_wait3A_249 : memref<64x128xf32, #tpu.memory_space<hbm>>) dst(%arg12 : memref<64x128xf32, #tpu.memory_space<vmem>>)
      %mul3A_250 = arith.constant 64 : i32
      %mul3A_251 = arith.muli %add3A_243, %mul3A_250 : i32
      %add3A_252 = arith.addi %mul3A_2, %mul3A_251 : i32
      %dma_start3A_253 = arith.constant 0 : i32
      %dma_start3A_254 = tpu.memref_slice %arg4[%add3A_252, %dma_start3A_253] : memref<204800x128xf32, #tpu.memory_space<hbm>> -> memref<64x128xf32, #tpu.memory_space<hbm>>
      %dma_start3A_255 = arith.constant 0 : i32
      %dma_start3A_256 = tpu.memref_slice %arg4[%add3A_252, %dma_start3A_255] : memref<204800x128xf32, #tpu.memory_space<hbm>> -> memref<64x128xf32, #tpu.memory_space<hbm>>
      tpu.enqueue_dma source(%arg12 : memref<64x128xf32, #tpu.memory_space<vmem>>) target(%dma_start3A_256 : memref<64x128xf32, #tpu.memory_space<hbm>>) target_semaphore(%arg40 : memref<!tpu.dma_semaphore, #tpu.memory_space<semaphore_mem>>)
      %le3A_257 = arith.constant 92 : i32
      %le3A_258 = arith.cmpi sle, %add3A_243, %le3A_257 : i32
      %convert_element_type3A_259 = arith.extui %le3A_258 : i1 to i32
      %cond3A_260 = arith.constant 0 : i32
      %cond3A_261 = arith.cmpi ne, %convert_element_type3A_259, %cond3A_260 : i32
      scf.if %cond3A_261 {
        %ge3A = arith.constant 7 : i32
        %ge3A_402 = arith.cmpi sge, %add3A_243, %ge3A : i32
        %convert_element_type3A_403 = arith.extui %ge3A_402 : i1 to i32
        %cond3A_404 = arith.constant 0 : i32
        %cond3A_405 = arith.cmpi ne, %convert_element_type3A_403, %cond3A_404 : i32
        scf.if %cond3A_405 {
          %dma_wait3A_414 = arith.constant 0 : i32
          %dma_wait3A_415 = tpu.memref_slice %arg4[%mul3A_2, %dma_wait3A_414] : memref<204800x128xf32, #tpu.memory_space<hbm>> -> memref<64x128xf32, #tpu.memory_space<hbm>>
          %dma_wait3A_416 = arith.constant 0 : i32
          %dma_wait3A_417 = tpu.memref_slice %arg4[%mul3A_2, %dma_wait3A_416] : memref<204800x128xf32, #tpu.memory_space<hbm>> -> memref<64x128xf32, #tpu.memory_space<hbm>>
          tpu.wait_dma2 semaphore(%arg47 : memref<!tpu.dma_semaphore, #tpu.memory_space<semaphore_mem>>) src(%arg19 : memref<64x128xf32, #tpu.memory_space<vmem>>) dst(%dma_wait3A_417 : memref<64x128xf32, #tpu.memory_space<hbm>>)
        } else {
        }
        %add3A_406 = arith.constant 7 : i32
        %add3A_407 = arith.addi %add3A_243, %add3A_406 : i32
        %mul3A_408 = arith.constant 64 : i32
        %mul3A_409 = arith.muli %add3A_407, %mul3A_408 : i32
        %dma_start3A_410 = tpu.memref_slice %arg5[%mul3A_409] : memref<6400xi32, #tpu.memory_space<vmem>> -> memref<64xi32, #tpu.memory_space<vmem>>
        %dma_start3A_411 = arith.constant 0 : i32
        %dma_start3A_412 = arith.constant 0 : i32
        %dma_start3A_413 = tpu.memref_slice %arg2[%dma_start3A_411, %dma_start3A_412] : memref<100000x128xf32, #tpu.memory_space<hbm>> -> memref<100000x128xf32, #tpu.memory_space<hbm>>
        tpu.enqueue_indirect_dma source(%dma_start3A_413 : memref<100000x128xf32, #tpu.memory_space<hbm>>) target(%arg19 : memref<64x128xf32, #tpu.memory_space<vmem>>) offsets(%dma_start3A_410 : memref<64xi32, #tpu.memory_space<vmem>>) semaphore(%arg33 : memref<!tpu.dma_semaphore, #tpu.memory_space<semaphore_mem>>)
      } else {
      }
      %add3A_262 = arith.constant 7 : i32
      %add3A_263 = arith.addi %add3A_124, %add3A_262 : i32
      %dma_wait3A_264 = arith.constant 0 : i32
      %dma_wait3A_265 = arith.constant 0 : i32
      %dma_wait3A_266 = tpu.memref_slice %arg2[%dma_wait3A_264, %dma_wait3A_265] : memref<100000x128xf32, #tpu.memory_space<hbm>> -> memref<64x128xf32, #tpu.memory_space<hbm>>
      %dma_wait3A_267 = arith.constant 0 : i32
      %dma_wait3A_268 = arith.constant 0 : i32
      %dma_wait3A_269 = tpu.memref_slice %arg2[%dma_wait3A_267, %dma_wait3A_268] : memref<100000x128xf32, #tpu.memory_space<hbm>> -> memref<64x128xf32, #tpu.memory_space<hbm>>
      tpu.wait_dma2 semaphore(%arg27 : memref<!tpu.dma_semaphore, #tpu.memory_space<semaphore_mem>>) src(%dma_wait3A_269 : memref<64x128xf32, #tpu.memory_space<hbm>>) dst(%arg13 : memref<64x128xf32, #tpu.memory_space<vmem>>)
      %mul3A_270 = arith.constant 64 : i32
      %mul3A_271 = arith.muli %add3A_263, %mul3A_270 : i32
      %add3A_272 = arith.addi %mul3A_2, %mul3A_271 : i32
      %dma_start3A_273 = arith.constant 0 : i32
      %dma_start3A_274 = tpu.memref_slice %arg4[%add3A_272, %dma_start3A_273] : memref<204800x128xf32, #tpu.memory_space<hbm>> -> memref<64x128xf32, #tpu.memory_space<hbm>>
      %dma_start3A_275 = arith.constant 0 : i32
      %dma_start3A_276 = tpu.memref_slice %arg4[%add3A_272, %dma_start3A_275] : memref<204800x128xf32, #tpu.memory_space<hbm>> -> memref<64x128xf32, #tpu.memory_space<hbm>>
      tpu.enqueue_dma source(%arg13 : memref<64x128xf32, #tpu.memory_space<vmem>>) target(%dma_start3A_276 : memref<64x128xf32, #tpu.memory_space<hbm>>) target_semaphore(%arg41 : memref<!tpu.dma_semaphore, #tpu.memory_space<semaphore_mem>>)
      %le3A_277 = arith.constant 92 : i32
      %le3A_278 = arith.cmpi sle, %add3A_263, %le3A_277 : i32
      %convert_element_type3A_279 = arith.extui %le3A_278 : i1 to i32
      %cond3A_280 = arith.constant 0 : i32
      %cond3A_281 = arith.cmpi ne, %convert_element_type3A_279, %cond3A_280 : i32
      scf.if %cond3A_281 {
        %ge3A = arith.constant 7 : i32
        %ge3A_402 = arith.cmpi sge, %add3A_263, %ge3A : i32
        %convert_element_type3A_403 = arith.extui %ge3A_402 : i1 to i32
        %cond3A_404 = arith.constant 0 : i32
        %cond3A_405 = arith.cmpi ne, %convert_element_type3A_403, %cond3A_404 : i32
        scf.if %cond3A_405 {
          %dma_wait3A_414 = arith.constant 0 : i32
          %dma_wait3A_415 = tpu.memref_slice %arg4[%mul3A_2, %dma_wait3A_414] : memref<204800x128xf32, #tpu.memory_space<hbm>> -> memref<64x128xf32, #tpu.memory_space<hbm>>
          %dma_wait3A_416 = arith.constant 0 : i32
          %dma_wait3A_417 = tpu.memref_slice %arg4[%mul3A_2, %dma_wait3A_416] : memref<204800x128xf32, #tpu.memory_space<hbm>> -> memref<64x128xf32, #tpu.memory_space<hbm>>
          tpu.wait_dma2 semaphore(%arg34 : memref<!tpu.dma_semaphore, #tpu.memory_space<semaphore_mem>>) src(%arg6 : memref<64x128xf32, #tpu.memory_space<vmem>>) dst(%dma_wait3A_417 : memref<64x128xf32, #tpu.memory_space<hbm>>)
        } else {
        }
        %add3A_406 = arith.constant 7 : i32
        %add3A_407 = arith.addi %add3A_263, %add3A_406 : i32
        %mul3A_408 = arith.constant 64 : i32
        %mul3A_409 = arith.muli %add3A_407, %mul3A_408 : i32
        %dma_start3A_410 = tpu.memref_slice %arg5[%mul3A_409] : memref<6400xi32, #tpu.memory_space<vmem>> -> memref<64xi32, #tpu.memory_space<vmem>>
        %dma_start3A_411 = arith.constant 0 : i32
        %dma_start3A_412 = arith.constant 0 : i32
        %dma_start3A_413 = tpu.memref_slice %arg2[%dma_start3A_411, %dma_start3A_412] : memref<100000x128xf32, #tpu.memory_space<hbm>> -> memref<100000x128xf32, #tpu.memory_space<hbm>>
        tpu.enqueue_indirect_dma source(%dma_start3A_413 : memref<100000x128xf32, #tpu.memory_space<hbm>>) target(%arg6 : memref<64x128xf32, #tpu.memory_space<vmem>>) offsets(%dma_start3A_410 : memref<64xi32, #tpu.memory_space<vmem>>) semaphore(%arg20 : memref<!tpu.dma_semaphore, #tpu.memory_space<semaphore_mem>>)
      } else {
      }
      %add3A_282 = arith.constant 8 : i32
      %add3A_283 = arith.addi %add3A_124, %add3A_282 : i32
      %dma_wait3A_284 = arith.constant 0 : i32
      %dma_wait3A_285 = arith.constant 0 : i32
      %dma_wait3A_286 = tpu.memref_slice %arg2[%dma_wait3A_284, %dma_wait3A_285] : memref<100000x128xf32, #tpu.memory_space<hbm>> -> memref<64x128xf32, #tpu.memory_space<hbm>>
      %dma_wait3A_287 = arith.constant 0 : i32
      %dma_wait3A_288 = arith.constant 0 : i32
      %dma_wait3A_289 = tpu.memref_slice %arg2[%dma_wait3A_287, %dma_wait3A_288] : memref<100000x128xf32, #tpu.memory_space<hbm>> -> memref<64x128xf32, #tpu.memory_space<hbm>>
      tpu.wait_dma2 semaphore(%arg28 : memref<!tpu.dma_semaphore, #tpu.memory_space<semaphore_mem>>) src(%dma_wait3A_289 : memref<64x128xf32, #tpu.memory_space<hbm>>) dst(%arg14 : memref<64x128xf32, #tpu.memory_space<vmem>>)
      %mul3A_290 = arith.constant 64 : i32
      %mul3A_291 = arith.muli %add3A_283, %mul3A_290 : i32
      %add3A_292 = arith.addi %mul3A_2, %mul3A_291 : i32
      %dma_start3A_293 = arith.constant 0 : i32
      %dma_start3A_294 = tpu.memref_slice %arg4[%add3A_292, %dma_start3A_293] : memref<204800x128xf32, #tpu.memory_space<hbm>> -> memref<64x128xf32, #tpu.memory_space<hbm>>
      %dma_start3A_295 = arith.constant 0 : i32
      %dma_start3A_296 = tpu.memref_slice %arg4[%add3A_292, %dma_start3A_295] : memref<204800x128xf32, #tpu.memory_space<hbm>> -> memref<64x128xf32, #tpu.memory_space<hbm>>
      tpu.enqueue_dma source(%arg14 : memref<64x128xf32, #tpu.memory_space<vmem>>) target(%dma_start3A_296 : memref<64x128xf32, #tpu.memory_space<hbm>>) target_semaphore(%arg42 : memref<!tpu.dma_semaphore, #tpu.memory_space<semaphore_mem>>)
      %le3A_297 = arith.constant 92 : i32
      %le3A_298 = arith.cmpi sle, %add3A_283, %le3A_297 : i32
      %convert_element_type3A_299 = arith.extui %le3A_298 : i1 to i32
      %cond3A_300 = arith.constant 0 : i32
      %cond3A_301 = arith.cmpi ne, %convert_element_type3A_299, %cond3A_300 : i32
      scf.if %cond3A_301 {
        %ge3A = arith.constant 7 : i32
        %ge3A_402 = arith.cmpi sge, %add3A_283, %ge3A : i32
        %convert_element_type3A_403 = arith.extui %ge3A_402 : i1 to i32
        %cond3A_404 = arith.constant 0 : i32
        %cond3A_405 = arith.cmpi ne, %convert_element_type3A_403, %cond3A_404 : i32
        scf.if %cond3A_405 {
          %dma_wait3A_414 = arith.constant 0 : i32
          %dma_wait3A_415 = tpu.memref_slice %arg4[%mul3A_2, %dma_wait3A_414] : memref<204800x128xf32, #tpu.memory_space<hbm>> -> memref<64x128xf32, #tpu.memory_space<hbm>>
          %dma_wait3A_416 = arith.constant 0 : i32
          %dma_wait3A_417 = tpu.memref_slice %arg4[%mul3A_2, %dma_wait3A_416] : memref<204800x128xf32, #tpu.memory_space<hbm>> -> memref<64x128xf32, #tpu.memory_space<hbm>>
          tpu.wait_dma2 semaphore(%arg35 : memref<!tpu.dma_semaphore, #tpu.memory_space<semaphore_mem>>) src(%arg7 : memref<64x128xf32, #tpu.memory_space<vmem>>) dst(%dma_wait3A_417 : memref<64x128xf32, #tpu.memory_space<hbm>>)
        } else {
        }
        %add3A_406 = arith.constant 7 : i32
        %add3A_407 = arith.addi %add3A_283, %add3A_406 : i32
        %mul3A_408 = arith.constant 64 : i32
        %mul3A_409 = arith.muli %add3A_407, %mul3A_408 : i32
        %dma_start3A_410 = tpu.memref_slice %arg5[%mul3A_409] : memref<6400xi32, #tpu.memory_space<vmem>> -> memref<64xi32, #tpu.memory_space<vmem>>
        %dma_start3A_411 = arith.constant 0 : i32
        %dma_start3A_412 = arith.constant 0 : i32
        %dma_start3A_413 = tpu.memref_slice %arg2[%dma_start3A_411, %dma_start3A_412] : memref<100000x128xf32, #tpu.memory_space<hbm>> -> memref<100000x128xf32, #tpu.memory_space<hbm>>
        tpu.enqueue_indirect_dma source(%dma_start3A_413 : memref<100000x128xf32, #tpu.memory_space<hbm>>) target(%arg7 : memref<64x128xf32, #tpu.memory_space<vmem>>) offsets(%dma_start3A_410 : memref<64xi32, #tpu.memory_space<vmem>>) semaphore(%arg21 : memref<!tpu.dma_semaphore, #tpu.memory_space<semaphore_mem>>)
      } else {
      }
      %add3A_302 = arith.constant 9 : i32
      %add3A_303 = arith.addi %add3A_124, %add3A_302 : i32
      %dma_wait3A_304 = arith.constant 0 : i32
      %dma_wait3A_305 = arith.constant 0 : i32
      %dma_wait3A_306 = tpu.memref_slice %arg2[%dma_wait3A_304, %dma_wait3A_305] : memref<100000x128xf32, #tpu.memory_space<hbm>> -> memref<64x128xf32, #tpu.memory_space<hbm>>
      %dma_wait3A_307 = arith.constant 0 : i32
      %dma_wait3A_308 = arith.constant 0 : i32
      %dma_wait3A_309 = tpu.memref_slice %arg2[%dma_wait3A_307, %dma_wait3A_308] : memref<100000x128xf32, #tpu.memory_space<hbm>> -> memref<64x128xf32, #tpu.memory_space<hbm>>
      tpu.wait_dma2 semaphore(%arg29 : memref<!tpu.dma_semaphore, #tpu.memory_space<semaphore_mem>>) src(%dma_wait3A_309 : memref<64x128xf32, #tpu.memory_space<hbm>>) dst(%arg15 : memref<64x128xf32, #tpu.memory_space<vmem>>)
      %mul3A_310 = arith.constant 64 : i32
      %mul3A_311 = arith.muli %add3A_303, %mul3A_310 : i32
      %add3A_312 = arith.addi %mul3A_2, %mul3A_311 : i32
      %dma_start3A_313 = arith.constant 0 : i32
      %dma_start3A_314 = tpu.memref_slice %arg4[%add3A_312, %dma_start3A_313] : memref<204800x128xf32, #tpu.memory_space<hbm>> -> memref<64x128xf32, #tpu.memory_space<hbm>>
      %dma_start3A_315 = arith.constant 0 : i32
      %dma_start3A_316 = tpu.memref_slice %arg4[%add3A_312, %dma_start3A_315] : memref<204800x128xf32, #tpu.memory_space<hbm>> -> memref<64x128xf32, #tpu.memory_space<hbm>>
      tpu.enqueue_dma source(%arg15 : memref<64x128xf32, #tpu.memory_space<vmem>>) target(%dma_start3A_316 : memref<64x128xf32, #tpu.memory_space<hbm>>) target_semaphore(%arg43 : memref<!tpu.dma_semaphore, #tpu.memory_space<semaphore_mem>>)
      %le3A_317 = arith.constant 92 : i32
      %le3A_318 = arith.cmpi sle, %add3A_303, %le3A_317 : i32
      %convert_element_type3A_319 = arith.extui %le3A_318 : i1 to i32
      %cond3A_320 = arith.constant 0 : i32
      %cond3A_321 = arith.cmpi ne, %convert_element_type3A_319, %cond3A_320 : i32
      scf.if %cond3A_321 {
        %ge3A = arith.constant 7 : i32
        %ge3A_402 = arith.cmpi sge, %add3A_303, %ge3A : i32
        %convert_element_type3A_403 = arith.extui %ge3A_402 : i1 to i32
        %cond3A_404 = arith.constant 0 : i32
        %cond3A_405 = arith.cmpi ne, %convert_element_type3A_403, %cond3A_404 : i32
        scf.if %cond3A_405 {
          %dma_wait3A_414 = arith.constant 0 : i32
          %dma_wait3A_415 = tpu.memref_slice %arg4[%mul3A_2, %dma_wait3A_414] : memref<204800x128xf32, #tpu.memory_space<hbm>> -> memref<64x128xf32, #tpu.memory_space<hbm>>
          %dma_wait3A_416 = arith.constant 0 : i32
          %dma_wait3A_417 = tpu.memref_slice %arg4[%mul3A_2, %dma_wait3A_416] : memref<204800x128xf32, #tpu.memory_space<hbm>> -> memref<64x128xf32, #tpu.memory_space<hbm>>
          tpu.wait_dma2 semaphore(%arg36 : memref<!tpu.dma_semaphore, #tpu.memory_space<semaphore_mem>>) src(%arg8 : memref<64x128xf32, #tpu.memory_space<vmem>>) dst(%dma_wait3A_417 : memref<64x128xf32, #tpu.memory_space<hbm>>)
        } else {
        }
        %add3A_406 = arith.constant 7 : i32
        %add3A_407 = arith.addi %add3A_303, %add3A_406 : i32
        %mul3A_408 = arith.constant 64 : i32
        %mul3A_409 = arith.muli %add3A_407, %mul3A_408 : i32
        %dma_start3A_410 = tpu.memref_slice %arg5[%mul3A_409] : memref<6400xi32, #tpu.memory_space<vmem>> -> memref<64xi32, #tpu.memory_space<vmem>>
        %dma_start3A_411 = arith.constant 0 : i32
        %dma_start3A_412 = arith.constant 0 : i32
        %dma_start3A_413 = tpu.memref_slice %arg2[%dma_start3A_411, %dma_start3A_412] : memref<100000x128xf32, #tpu.memory_space<hbm>> -> memref<100000x128xf32, #tpu.memory_space<hbm>>
        tpu.enqueue_indirect_dma source(%dma_start3A_413 : memref<100000x128xf32, #tpu.memory_space<hbm>>) target(%arg8 : memref<64x128xf32, #tpu.memory_space<vmem>>) offsets(%dma_start3A_410 : memref<64xi32, #tpu.memory_space<vmem>>) semaphore(%arg22 : memref<!tpu.dma_semaphore, #tpu.memory_space<semaphore_mem>>)
      } else {
      }
      %add3A_322 = arith.constant 10 : i32
      %add3A_323 = arith.addi %add3A_124, %add3A_322 : i32
      %dma_wait3A_324 = arith.constant 0 : i32
      %dma_wait3A_325 = arith.constant 0 : i32
      %dma_wait3A_326 = tpu.memref_slice %arg2[%dma_wait3A_324, %dma_wait3A_325] : memref<100000x128xf32, #tpu.memory_space<hbm>> -> memref<64x128xf32, #tpu.memory_space<hbm>>
      %dma_wait3A_327 = arith.constant 0 : i32
      %dma_wait3A_328 = arith.constant 0 : i32
      %dma_wait3A_329 = tpu.memref_slice %arg2[%dma_wait3A_327, %dma_wait3A_328] : memref<100000x128xf32, #tpu.memory_space<hbm>> -> memref<64x128xf32, #tpu.memory_space<hbm>>
      tpu.wait_dma2 semaphore(%arg30 : memref<!tpu.dma_semaphore, #tpu.memory_space<semaphore_mem>>) src(%dma_wait3A_329 : memref<64x128xf32, #tpu.memory_space<hbm>>) dst(%arg16 : memref<64x128xf32, #tpu.memory_space<vmem>>)
      %mul3A_330 = arith.constant 64 : i32
      %mul3A_331 = arith.muli %add3A_323, %mul3A_330 : i32
      %add3A_332 = arith.addi %mul3A_2, %mul3A_331 : i32
      %dma_start3A_333 = arith.constant 0 : i32
      %dma_start3A_334 = tpu.memref_slice %arg4[%add3A_332, %dma_start3A_333] : memref<204800x128xf32, #tpu.memory_space<hbm>> -> memref<64x128xf32, #tpu.memory_space<hbm>>
      %dma_start3A_335 = arith.constant 0 : i32
      %dma_start3A_336 = tpu.memref_slice %arg4[%add3A_332, %dma_start3A_335] : memref<204800x128xf32, #tpu.memory_space<hbm>> -> memref<64x128xf32, #tpu.memory_space<hbm>>
      tpu.enqueue_dma source(%arg16 : memref<64x128xf32, #tpu.memory_space<vmem>>) target(%dma_start3A_336 : memref<64x128xf32, #tpu.memory_space<hbm>>) target_semaphore(%arg44 : memref<!tpu.dma_semaphore, #tpu.memory_space<semaphore_mem>>)
      %le3A_337 = arith.constant 92 : i32
      %le3A_338 = arith.cmpi sle, %add3A_323, %le3A_337 : i32
      %convert_element_type3A_339 = arith.extui %le3A_338 : i1 to i32
      %cond3A_340 = arith.constant 0 : i32
      %cond3A_341 = arith.cmpi ne, %convert_element_type3A_339, %cond3A_340 : i32
      scf.if %cond3A_341 {
        %ge3A = arith.constant 7 : i32
        %ge3A_402 = arith.cmpi sge, %add3A_323, %ge3A : i32
        %convert_element_type3A_403 = arith.extui %ge3A_402 : i1 to i32
        %cond3A_404 = arith.constant 0 : i32
        %cond3A_405 = arith.cmpi ne, %convert_element_type3A_403, %cond3A_404 : i32
        scf.if %cond3A_405 {
          %dma_wait3A_414 = arith.constant 0 : i32
          %dma_wait3A_415 = tpu.memref_slice %arg4[%mul3A_2, %dma_wait3A_414] : memref<204800x128xf32, #tpu.memory_space<hbm>> -> memref<64x128xf32, #tpu.memory_space<hbm>>
          %dma_wait3A_416 = arith.constant 0 : i32
          %dma_wait3A_417 = tpu.memref_slice %arg4[%mul3A_2, %dma_wait3A_416] : memref<204800x128xf32, #tpu.memory_space<hbm>> -> memref<64x128xf32, #tpu.memory_space<hbm>>
          tpu.wait_dma2 semaphore(%arg37 : memref<!tpu.dma_semaphore, #tpu.memory_space<semaphore_mem>>) src(%arg9 : memref<64x128xf32, #tpu.memory_space<vmem>>) dst(%dma_wait3A_417 : memref<64x128xf32, #tpu.memory_space<hbm>>)
        } else {
        }
        %add3A_406 = arith.constant 7 : i32
        %add3A_407 = arith.addi %add3A_323, %add3A_406 : i32
        %mul3A_408 = arith.constant 64 : i32
        %mul3A_409 = arith.muli %add3A_407, %mul3A_408 : i32
        %dma_start3A_410 = tpu.memref_slice %arg5[%mul3A_409] : memref<6400xi32, #tpu.memory_space<vmem>> -> memref<64xi32, #tpu.memory_space<vmem>>
        %dma_start3A_411 = arith.constant 0 : i32
        %dma_start3A_412 = arith.constant 0 : i32
        %dma_start3A_413 = tpu.memref_slice %arg2[%dma_start3A_411, %dma_start3A_412] : memref<100000x128xf32, #tpu.memory_space<hbm>> -> memref<100000x128xf32, #tpu.memory_space<hbm>>
        tpu.enqueue_indirect_dma source(%dma_start3A_413 : memref<100000x128xf32, #tpu.memory_space<hbm>>) target(%arg9 : memref<64x128xf32, #tpu.memory_space<vmem>>) offsets(%dma_start3A_410 : memref<64xi32, #tpu.memory_space<vmem>>) semaphore(%arg23 : memref<!tpu.dma_semaphore, #tpu.memory_space<semaphore_mem>>)
      } else {
      }
      %add3A_342 = arith.constant 11 : i32
      %add3A_343 = arith.addi %add3A_124, %add3A_342 : i32
      %dma_wait3A_344 = arith.constant 0 : i32
      %dma_wait3A_345 = arith.constant 0 : i32
      %dma_wait3A_346 = tpu.memref_slice %arg2[%dma_wait3A_344, %dma_wait3A_345] : memref<100000x128xf32, #tpu.memory_space<hbm>> -> memref<64x128xf32, #tpu.memory_space<hbm>>
      %dma_wait3A_347 = arith.constant 0 : i32
      %dma_wait3A_348 = arith.constant 0 : i32
      %dma_wait3A_349 = tpu.memref_slice %arg2[%dma_wait3A_347, %dma_wait3A_348] : memref<100000x128xf32, #tpu.memory_space<hbm>> -> memref<64x128xf32, #tpu.memory_space<hbm>>
      tpu.wait_dma2 semaphore(%arg31 : memref<!tpu.dma_semaphore, #tpu.memory_space<semaphore_mem>>) src(%dma_wait3A_349 : memref<64x128xf32, #tpu.memory_space<hbm>>) dst(%arg17 : memref<64x128xf32, #tpu.memory_space<vmem>>)
      %mul3A_350 = arith.constant 64 : i32
      %mul3A_351 = arith.muli %add3A_343, %mul3A_350 : i32
      %add3A_352 = arith.addi %mul3A_2, %mul3A_351 : i32
      %dma_start3A_353 = arith.constant 0 : i32
      %dma_start3A_354 = tpu.memref_slice %arg4[%add3A_352, %dma_start3A_353] : memref<204800x128xf32, #tpu.memory_space<hbm>> -> memref<64x128xf32, #tpu.memory_space<hbm>>
      %dma_start3A_355 = arith.constant 0 : i32
      %dma_start3A_356 = tpu.memref_slice %arg4[%add3A_352, %dma_start3A_355] : memref<204800x128xf32, #tpu.memory_space<hbm>> -> memref<64x128xf32, #tpu.memory_space<hbm>>
      tpu.enqueue_dma source(%arg17 : memref<64x128xf32, #tpu.memory_space<vmem>>) target(%dma_start3A_356 : memref<64x128xf32, #tpu.memory_space<hbm>>) target_semaphore(%arg45 : memref<!tpu.dma_semaphore, #tpu.memory_space<semaphore_mem>>)
      %le3A_357 = arith.constant 92 : i32
      %le3A_358 = arith.cmpi sle, %add3A_343, %le3A_357 : i32
      %convert_element_type3A_359 = arith.extui %le3A_358 : i1 to i32
      %cond3A_360 = arith.constant 0 : i32
      %cond3A_361 = arith.cmpi ne, %convert_element_type3A_359, %cond3A_360 : i32
      scf.if %cond3A_361 {
        %ge3A = arith.constant 7 : i32
        %ge3A_402 = arith.cmpi sge, %add3A_343, %ge3A : i32
        %convert_element_type3A_403 = arith.extui %ge3A_402 : i1 to i32
        %cond3A_404 = arith.constant 0 : i32
        %cond3A_405 = arith.cmpi ne, %convert_element_type3A_403, %cond3A_404 : i32
        scf.if %cond3A_405 {
          %dma_wait3A_414 = arith.constant 0 : i32
          %dma_wait3A_415 = tpu.memref_slice %arg4[%mul3A_2, %dma_wait3A_414] : memref<204800x128xf32, #tpu.memory_space<hbm>> -> memref<64x128xf32, #tpu.memory_space<hbm>>
          %dma_wait3A_416 = arith.constant 0 : i32
          %dma_wait3A_417 = tpu.memref_slice %arg4[%mul3A_2, %dma_wait3A_416] : memref<204800x128xf32, #tpu.memory_space<hbm>> -> memref<64x128xf32, #tpu.memory_space<hbm>>
          tpu.wait_dma2 semaphore(%arg38 : memref<!tpu.dma_semaphore, #tpu.memory_space<semaphore_mem>>) src(%arg10 : memref<64x128xf32, #tpu.memory_space<vmem>>) dst(%dma_wait3A_417 : memref<64x128xf32, #tpu.memory_space<hbm>>)
        } else {
        }
        %add3A_406 = arith.constant 7 : i32
        %add3A_407 = arith.addi %add3A_343, %add3A_406 : i32
        %mul3A_408 = arith.constant 64 : i32
        %mul3A_409 = arith.muli %add3A_407, %mul3A_408 : i32
        %dma_start3A_410 = tpu.memref_slice %arg5[%mul3A_409] : memref<6400xi32, #tpu.memory_space<vmem>> -> memref<64xi32, #tpu.memory_space<vmem>>
        %dma_start3A_411 = arith.constant 0 : i32
        %dma_start3A_412 = arith.constant 0 : i32
        %dma_start3A_413 = tpu.memref_slice %arg2[%dma_start3A_411, %dma_start3A_412] : memref<100000x128xf32, #tpu.memory_space<hbm>> -> memref<100000x128xf32, #tpu.memory_space<hbm>>
        tpu.enqueue_indirect_dma source(%dma_start3A_413 : memref<100000x128xf32, #tpu.memory_space<hbm>>) target(%arg10 : memref<64x128xf32, #tpu.memory_space<vmem>>) offsets(%dma_start3A_410 : memref<64xi32, #tpu.memory_space<vmem>>) semaphore(%arg24 : memref<!tpu.dma_semaphore, #tpu.memory_space<semaphore_mem>>)
      } else {
      }
      %add3A_362 = arith.constant 12 : i32
      %add3A_363 = arith.addi %add3A_124, %add3A_362 : i32
      %dma_wait3A_364 = arith.constant 0 : i32
      %dma_wait3A_365 = arith.constant 0 : i32
      %dma_wait3A_366 = tpu.memref_slice %arg2[%dma_wait3A_364, %dma_wait3A_365] : memref<100000x128xf32, #tpu.memory_space<hbm>> -> memref<64x128xf32, #tpu.memory_space<hbm>>
      %dma_wait3A_367 = arith.constant 0 : i32
      %dma_wait3A_368 = arith.constant 0 : i32
      %dma_wait3A_369 = tpu.memref_slice %arg2[%dma_wait3A_367, %dma_wait3A_368] : memref<100000x128xf32, #tpu.memory_space<hbm>> -> memref<64x128xf32, #tpu.memory_space<hbm>>
      tpu.wait_dma2 semaphore(%arg32 : memref<!tpu.dma_semaphore, #tpu.memory_space<semaphore_mem>>) src(%dma_wait3A_369 : memref<64x128xf32, #tpu.memory_space<hbm>>) dst(%arg18 : memref<64x128xf32, #tpu.memory_space<vmem>>)
      %mul3A_370 = arith.constant 64 : i32
      %mul3A_371 = arith.muli %add3A_363, %mul3A_370 : i32
      %add3A_372 = arith.addi %mul3A_2, %mul3A_371 : i32
      %dma_start3A_373 = arith.constant 0 : i32
      %dma_start3A_374 = tpu.memref_slice %arg4[%add3A_372, %dma_start3A_373] : memref<204800x128xf32, #tpu.memory_space<hbm>> -> memref<64x128xf32, #tpu.memory_space<hbm>>
      %dma_start3A_375 = arith.constant 0 : i32
      %dma_start3A_376 = tpu.memref_slice %arg4[%add3A_372, %dma_start3A_375] : memref<204800x128xf32, #tpu.memory_space<hbm>> -> memref<64x128xf32, #tpu.memory_space<hbm>>
      tpu.enqueue_dma source(%arg18 : memref<64x128xf32, #tpu.memory_space<vmem>>) target(%dma_start3A_376 : memref<64x128xf32, #tpu.memory_space<hbm>>) target_semaphore(%arg46 : memref<!tpu.dma_semaphore, #tpu.memory_space<semaphore_mem>>)
      %le3A_377 = arith.constant 92 : i32
      %le3A_378 = arith.cmpi sle, %add3A_363, %le3A_377 : i32
      %convert_element_type3A_379 = arith.extui %le3A_378 : i1 to i32
      %cond3A_380 = arith.constant 0 : i32
      %cond3A_381 = arith.cmpi ne, %convert_element_type3A_379, %cond3A_380 : i32
      scf.if %cond3A_381 {
        %ge3A = arith.constant 7 : i32
        %ge3A_402 = arith.cmpi sge, %add3A_363, %ge3A : i32
        %convert_element_type3A_403 = arith.extui %ge3A_402 : i1 to i32
        %cond3A_404 = arith.constant 0 : i32
        %cond3A_405 = arith.cmpi ne, %convert_element_type3A_403, %cond3A_404 : i32
        scf.if %cond3A_405 {
          %dma_wait3A_414 = arith.constant 0 : i32
          %dma_wait3A_415 = tpu.memref_slice %arg4[%mul3A_2, %dma_wait3A_414] : memref<204800x128xf32, #tpu.memory_space<hbm>> -> memref<64x128xf32, #tpu.memory_space<hbm>>
          %dma_wait3A_416 = arith.constant 0 : i32
          %dma_wait3A_417 = tpu.memref_slice %arg4[%mul3A_2, %dma_wait3A_416] : memref<204800x128xf32, #tpu.memory_space<hbm>> -> memref<64x128xf32, #tpu.memory_space<hbm>>
          tpu.wait_dma2 semaphore(%arg39 : memref<!tpu.dma_semaphore, #tpu.memory_space<semaphore_mem>>) src(%arg11 : memref<64x128xf32, #tpu.memory_space<vmem>>) dst(%dma_wait3A_417 : memref<64x128xf32, #tpu.memory_space<hbm>>)
        } else {
        }
        %add3A_406 = arith.constant 7 : i32
        %add3A_407 = arith.addi %add3A_363, %add3A_406 : i32
        %mul3A_408 = arith.constant 64 : i32
        %mul3A_409 = arith.muli %add3A_407, %mul3A_408 : i32
        %dma_start3A_410 = tpu.memref_slice %arg5[%mul3A_409] : memref<6400xi32, #tpu.memory_space<vmem>> -> memref<64xi32, #tpu.memory_space<vmem>>
        %dma_start3A_411 = arith.constant 0 : i32
        %dma_start3A_412 = arith.constant 0 : i32
        %dma_start3A_413 = tpu.memref_slice %arg2[%dma_start3A_411, %dma_start3A_412] : memref<100000x128xf32, #tpu.memory_space<hbm>> -> memref<100000x128xf32, #tpu.memory_space<hbm>>
        tpu.enqueue_indirect_dma source(%dma_start3A_413 : memref<100000x128xf32, #tpu.memory_space<hbm>>) target(%arg11 : memref<64x128xf32, #tpu.memory_space<vmem>>) offsets(%dma_start3A_410 : memref<64xi32, #tpu.memory_space<vmem>>) semaphore(%arg25 : memref<!tpu.dma_semaphore, #tpu.memory_space<semaphore_mem>>)
      } else {
      }
      %add3A_382 = arith.constant 13 : i32
      %add3A_383 = arith.addi %add3A_124, %add3A_382 : i32
      %dma_wait3A_384 = arith.constant 0 : i32
      %dma_wait3A_385 = arith.constant 0 : i32
      %dma_wait3A_386 = tpu.memref_slice %arg2[%dma_wait3A_384, %dma_wait3A_385] : memref<100000x128xf32, #tpu.memory_space<hbm>> -> memref<64x128xf32, #tpu.memory_space<hbm>>
      %dma_wait3A_387 = arith.constant 0 : i32
      %dma_wait3A_388 = arith.constant 0 : i32
      %dma_wait3A_389 = tpu.memref_slice %arg2[%dma_wait3A_387, %dma_wait3A_388] : memref<100000x128xf32, #tpu.memory_space<hbm>> -> memref<64x128xf32, #tpu.memory_space<hbm>>
      tpu.wait_dma2 semaphore(%arg33 : memref<!tpu.dma_semaphore, #tpu.memory_space<semaphore_mem>>) src(%dma_wait3A_389 : memref<64x128xf32, #tpu.memory_space<hbm>>) dst(%arg19 : memref<64x128xf32, #tpu.memory_space<vmem>>)
      %mul3A_390 = arith.constant 64 : i32
      %mul3A_391 = arith.muli %add3A_383, %mul3A_390 : i32
      %add3A_392 = arith.addi %mul3A_2, %mul3A_391 : i32
      %dma_start3A_393 = arith.constant 0 : i32
      %dma_start3A_394 = tpu.memref_slice %arg4[%add3A_392, %dma_start3A_393] : memref<204800x128xf32, #tpu.memory_space<hbm>> -> memref<64x128xf32, #tpu.memory_space<hbm>>
      %dma_start3A_395 = arith.constant 0 : i32
      %dma_start3A_396 = tpu.memref_slice %arg4[%add3A_392, %dma_start3A_395] : memref<204800x128xf32, #tpu.memory_space<hbm>> -> memref<64x128xf32, #tpu.memory_space<hbm>>
      tpu.enqueue_dma source(%arg19 : memref<64x128xf32, #tpu.memory_space<vmem>>) target(%dma_start3A_396 : memref<64x128xf32, #tpu.memory_space<hbm>>) target_semaphore(%arg47 : memref<!tpu.dma_semaphore, #tpu.memory_space<semaphore_mem>>)
      %le3A_397 = arith.constant 92 : i32
      %le3A_398 = arith.cmpi sle, %add3A_383, %le3A_397 : i32
      %convert_element_type3A_399 = arith.extui %le3A_398 : i1 to i32
      %cond3A_400 = arith.constant 0 : i32
      %cond3A_401 = arith.cmpi ne, %convert_element_type3A_399, %cond3A_400 : i32
      scf.if %cond3A_401 {
        %ge3A = arith.constant 7 : i32
        %ge3A_402 = arith.cmpi sge, %add3A_383, %ge3A : i32
        %convert_element_type3A_403 = arith.extui %ge3A_402 : i1 to i32
        %cond3A_404 = arith.constant 0 : i32
        %cond3A_405 = arith.cmpi ne, %convert_element_type3A_403, %cond3A_404 : i32
        scf.if %cond3A_405 {
          %dma_wait3A_414 = arith.constant 0 : i32
          %dma_wait3A_415 = tpu.memref_slice %arg4[%mul3A_2, %dma_wait3A_414] : memref<204800x128xf32, #tpu.memory_space<hbm>> -> memref<64x128xf32, #tpu.memory_space<hbm>>
          %dma_wait3A_416 = arith.constant 0 : i32
          %dma_wait3A_417 = tpu.memref_slice %arg4[%mul3A_2, %dma_wait3A_416] : memref<204800x128xf32, #tpu.memory_space<hbm>> -> memref<64x128xf32, #tpu.memory_space<hbm>>
          tpu.wait_dma2 semaphore(%arg40 : memref<!tpu.dma_semaphore, #tpu.memory_space<semaphore_mem>>) src(%arg12 : memref<64x128xf32, #tpu.memory_space<vmem>>) dst(%dma_wait3A_417 : memref<64x128xf32, #tpu.memory_space<hbm>>)
        } else {
        }
        %add3A_406 = arith.constant 7 : i32
        %add3A_407 = arith.addi %add3A_383, %add3A_406 : i32
        %mul3A_408 = arith.constant 64 : i32
        %mul3A_409 = arith.muli %add3A_407, %mul3A_408 : i32
        %dma_start3A_410 = tpu.memref_slice %arg5[%mul3A_409] : memref<6400xi32, #tpu.memory_space<vmem>> -> memref<64xi32, #tpu.memory_space<vmem>>
        %dma_start3A_411 = arith.constant 0 : i32
        %dma_start3A_412 = arith.constant 0 : i32
        %dma_start3A_413 = tpu.memref_slice %arg2[%dma_start3A_411, %dma_start3A_412] : memref<100000x128xf32, #tpu.memory_space<hbm>> -> memref<100000x128xf32, #tpu.memory_space<hbm>>
        tpu.enqueue_indirect_dma source(%dma_start3A_413 : memref<100000x128xf32, #tpu.memory_space<hbm>>) target(%arg12 : memref<64x128xf32, #tpu.memory_space<vmem>>) offsets(%dma_start3A_410 : memref<64xi32, #tpu.memory_space<vmem>>) semaphore(%arg26 : memref<!tpu.dma_semaphore, #tpu.memory_space<semaphore_mem>>)
      } else {
      }
    }
    %scan3A_40 = arith.constant 7 : i32
    %dma_wait3A = arith.constant 0 : i32
    %dma_wait3A_41 = arith.constant 0 : i32
    %dma_wait3A_42 = tpu.memref_slice %arg2[%dma_wait3A, %dma_wait3A_41] : memref<100000x128xf32, #tpu.memory_space<hbm>> -> memref<64x128xf32, #tpu.memory_space<hbm>>
    %dma_wait3A_43 = arith.constant 0 : i32
    %dma_wait3A_44 = arith.constant 0 : i32
    %dma_wait3A_45 = tpu.memref_slice %arg2[%dma_wait3A_43, %dma_wait3A_44] : memref<100000x128xf32, #tpu.memory_space<hbm>> -> memref<64x128xf32, #tpu.memory_space<hbm>>
    tpu.wait_dma2 semaphore(%arg20 : memref<!tpu.dma_semaphore, #tpu.memory_space<semaphore_mem>>) src(%dma_wait3A_45 : memref<64x128xf32, #tpu.memory_space<hbm>>) dst(%arg6 : memref<64x128xf32, #tpu.memory_space<vmem>>)
    %add3A_46 = arith.constant 6272 : i32
    %add3A_47 = arith.addi %mul3A_2, %add3A_46 : i32
    %dma_start3A_48 = arith.constant 0 : i32
    %dma_start3A_49 = tpu.memref_slice %arg4[%add3A_47, %dma_start3A_48] : memref<204800x128xf32, #tpu.memory_space<hbm>> -> memref<64x128xf32, #tpu.memory_space<hbm>>
    %dma_start3A_50 = arith.constant 0 : i32
    %dma_start3A_51 = tpu.memref_slice %arg4[%add3A_47, %dma_start3A_50] : memref<204800x128xf32, #tpu.memory_space<hbm>> -> memref<64x128xf32, #tpu.memory_space<hbm>>
    tpu.enqueue_dma source(%arg6 : memref<64x128xf32, #tpu.memory_space<vmem>>) target(%dma_start3A_51 : memref<64x128xf32, #tpu.memory_space<hbm>>) target_semaphore(%arg34 : memref<!tpu.dma_semaphore, #tpu.memory_space<semaphore_mem>>)
    %dma_wait3A_52 = arith.constant 0 : i32
    %dma_wait3A_53 = arith.constant 0 : i32
    %dma_wait3A_54 = tpu.memref_slice %arg2[%dma_wait3A_52, %dma_wait3A_53] : memref<100000x128xf32, #tpu.memory_space<hbm>> -> memref<64x128xf32, #tpu.memory_space<hbm>>
    %dma_wait3A_55 = arith.constant 0 : i32
    %dma_wait3A_56 = arith.constant 0 : i32
    %dma_wait3A_57 = tpu.memref_slice %arg2[%dma_wait3A_55, %dma_wait3A_56] : memref<100000x128xf32, #tpu.memory_space<hbm>> -> memref<64x128xf32, #tpu.memory_space<hbm>>
    tpu.wait_dma2 semaphore(%arg21 : memref<!tpu.dma_semaphore, #tpu.memory_space<semaphore_mem>>) src(%dma_wait3A_57 : memref<64x128xf32, #tpu.memory_space<hbm>>) dst(%arg7 : memref<64x128xf32, #tpu.memory_space<vmem>>)
    %add3A_58 = arith.constant 6336 : i32
    %add3A_59 = arith.addi %mul3A_2, %add3A_58 : i32
    %dma_start3A_60 = arith.constant 0 : i32
    %dma_start3A_61 = tpu.memref_slice %arg4[%add3A_59, %dma_start3A_60] : memref<204800x128xf32, #tpu.memory_space<hbm>> -> memref<64x128xf32, #tpu.memory_space<hbm>>
    %dma_start3A_62 = arith.constant 0 : i32
    %dma_start3A_63 = tpu.memref_slice %arg4[%add3A_59, %dma_start3A_62] : memref<204800x128xf32, #tpu.memory_space<hbm>> -> memref<64x128xf32, #tpu.memory_space<hbm>>
    tpu.enqueue_dma source(%arg7 : memref<64x128xf32, #tpu.memory_space<vmem>>) target(%dma_start3A_63 : memref<64x128xf32, #tpu.memory_space<hbm>>) target_semaphore(%arg35 : memref<!tpu.dma_semaphore, #tpu.memory_space<semaphore_mem>>)
    %dma_wait3A_64 = arith.constant 0 : i32
    %dma_wait3A_65 = tpu.memref_slice %arg4[%mul3A_2, %dma_wait3A_64] : memref<204800x128xf32, #tpu.memory_space<hbm>> -> memref<64x128xf32, #tpu.memory_space<hbm>>
    %dma_wait3A_66 = arith.constant 0 : i32
    %dma_wait3A_67 = tpu.memref_slice %arg4[%mul3A_2, %dma_wait3A_66] : memref<204800x128xf32, #tpu.memory_space<hbm>> -> memref<64x128xf32, #tpu.memory_space<hbm>>
    tpu.wait_dma2 semaphore(%arg36 : memref<!tpu.dma_semaphore, #tpu.memory_space<semaphore_mem>>) src(%arg8 : memref<64x128xf32, #tpu.memory_space<vmem>>) dst(%dma_wait3A_67 : memref<64x128xf32, #tpu.memory_space<hbm>>)
    %dma_wait3A_68 = arith.constant 0 : i32
    %dma_wait3A_69 = tpu.memref_slice %arg4[%mul3A_2, %dma_wait3A_68] : memref<204800x128xf32, #tpu.memory_space<hbm>> -> memref<64x128xf32, #tpu.memory_space<hbm>>
    %dma_wait3A_70 = arith.constant 0 : i32
    %dma_wait3A_71 = tpu.memref_slice %arg4[%mul3A_2, %dma_wait3A_70] : memref<204800x128xf32, #tpu.memory_space<hbm>> -> memref<64x128xf32, #tpu.memory_space<hbm>>
    tpu.wait_dma2 semaphore(%arg37 : memref<!tpu.dma_semaphore, #tpu.memory_space<semaphore_mem>>) src(%arg9 : memref<64x128xf32, #tpu.memory_space<vmem>>) dst(%dma_wait3A_71 : memref<64x128xf32, #tpu.memory_space<hbm>>)
    %dma_wait3A_72 = arith.constant 0 : i32
    %dma_wait3A_73 = tpu.memref_slice %arg4[%mul3A_2, %dma_wait3A_72] : memref<204800x128xf32, #tpu.memory_space<hbm>> -> memref<64x128xf32, #tpu.memory_space<hbm>>
    %dma_wait3A_74 = arith.constant 0 : i32
    %dma_wait3A_75 = tpu.memref_slice %arg4[%mul3A_2, %dma_wait3A_74] : memref<204800x128xf32, #tpu.memory_space<hbm>> -> memref<64x128xf32, #tpu.memory_space<hbm>>
    tpu.wait_dma2 semaphore(%arg38 : memref<!tpu.dma_semaphore, #tpu.memory_space<semaphore_mem>>) src(%arg10 : memref<64x128xf32, #tpu.memory_space<vmem>>) dst(%dma_wait3A_75 : memref<64x128xf32, #tpu.memory_space<hbm>>)
    %dma_wait3A_76 = arith.constant 0 : i32
    %dma_wait3A_77 = tpu.memref_slice %arg4[%mul3A_2, %dma_wait3A_76] : memref<204800x128xf32, #tpu.memory_space<hbm>> -> memref<64x128xf32, #tpu.memory_space<hbm>>
    %dma_wait3A_78 = arith.constant 0 : i32
    %dma_wait3A_79 = tpu.memref_slice %arg4[%mul3A_2, %dma_wait3A_78] : memref<204800x128xf32, #tpu.memory_space<hbm>> -> memref<64x128xf32, #tpu.memory_space<hbm>>
    tpu.wait_dma2 semaphore(%arg39 : memref<!tpu.dma_semaphore, #tpu.memory_space<semaphore_mem>>) src(%arg11 : memref<64x128xf32, #tpu.memory_space<vmem>>) dst(%dma_wait3A_79 : memref<64x128xf32, #tpu.memory_space<hbm>>)
    %dma_wait3A_80 = arith.constant 0 : i32
    %dma_wait3A_81 = tpu.memref_slice %arg4[%mul3A_2, %dma_wait3A_80] : memref<204800x128xf32, #tpu.memory_space<hbm>> -> memref<64x128xf32, #tpu.memory_space<hbm>>
    %dma_wait3A_82 = arith.constant 0 : i32
    %dma_wait3A_83 = tpu.memref_slice %arg4[%mul3A_2, %dma_wait3A_82] : memref<204800x128xf32, #tpu.memory_space<hbm>> -> memref<64x128xf32, #tpu.memory_space<hbm>>
    tpu.wait_dma2 semaphore(%arg40 : memref<!tpu.dma_semaphore, #tpu.memory_space<semaphore_mem>>) src(%arg12 : memref<64x128xf32, #tpu.memory_space<vmem>>) dst(%dma_wait3A_83 : memref<64x128xf32, #tpu.memory_space<hbm>>)
    %dma_wait3A_84 = arith.constant 0 : i32
    %dma_wait3A_85 = tpu.memref_slice %arg4[%mul3A_2, %dma_wait3A_84] : memref<204800x128xf32, #tpu.memory_space<hbm>> -> memref<64x128xf32, #tpu.memory_space<hbm>>
    %dma_wait3A_86 = arith.constant 0 : i32
    %dma_wait3A_87 = tpu.memref_slice %arg4[%mul3A_2, %dma_wait3A_86] : memref<204800x128xf32, #tpu.memory_space<hbm>> -> memref<64x128xf32, #tpu.memory_space<hbm>>
    tpu.wait_dma2 semaphore(%arg41 : memref<!tpu.dma_semaphore, #tpu.memory_space<semaphore_mem>>) src(%arg13 : memref<64x128xf32, #tpu.memory_space<vmem>>) dst(%dma_wait3A_87 : memref<64x128xf32, #tpu.memory_space<hbm>>)
    %dma_wait3A_88 = arith.constant 0 : i32
    %dma_wait3A_89 = tpu.memref_slice %arg4[%mul3A_2, %dma_wait3A_88] : memref<204800x128xf32, #tpu.memory_space<hbm>> -> memref<64x128xf32, #tpu.memory_space<hbm>>
    %dma_wait3A_90 = arith.constant 0 : i32
    %dma_wait3A_91 = tpu.memref_slice %arg4[%mul3A_2, %dma_wait3A_90] : memref<204800x128xf32, #tpu.memory_space<hbm>> -> memref<64x128xf32, #tpu.memory_space<hbm>>
    tpu.wait_dma2 semaphore(%arg42 : memref<!tpu.dma_semaphore, #tpu.memory_space<semaphore_mem>>) src(%arg14 : memref<64x128xf32, #tpu.memory_space<vmem>>) dst(%dma_wait3A_91 : memref<64x128xf32, #tpu.memory_space<hbm>>)
    %dma_wait3A_92 = arith.constant 0 : i32
    %dma_wait3A_93 = tpu.memref_slice %arg4[%mul3A_2, %dma_wait3A_92] : memref<204800x128xf32, #tpu.memory_space<hbm>> -> memref<64x128xf32, #tpu.memory_space<hbm>>
    %dma_wait3A_94 = arith.constant 0 : i32
    %dma_wait3A_95 = tpu.memref_slice %arg4[%mul3A_2, %dma_wait3A_94] : memref<204800x128xf32, #tpu.memory_space<hbm>> -> memref<64x128xf32, #tpu.memory_space<hbm>>
    tpu.wait_dma2 semaphore(%arg43 : memref<!tpu.dma_semaphore, #tpu.memory_space<semaphore_mem>>) src(%arg15 : memref<64x128xf32, #tpu.memory_space<vmem>>) dst(%dma_wait3A_95 : memref<64x128xf32, #tpu.memory_space<hbm>>)
    %dma_wait3A_96 = arith.constant 0 : i32
    %dma_wait3A_97 = tpu.memref_slice %arg4[%mul3A_2, %dma_wait3A_96] : memref<204800x128xf32, #tpu.memory_space<hbm>> -> memref<64x128xf32, #tpu.memory_space<hbm>>
    %dma_wait3A_98 = arith.constant 0 : i32
    %dma_wait3A_99 = tpu.memref_slice %arg4[%mul3A_2, %dma_wait3A_98] : memref<204800x128xf32, #tpu.memory_space<hbm>> -> memref<64x128xf32, #tpu.memory_space<hbm>>
    tpu.wait_dma2 semaphore(%arg44 : memref<!tpu.dma_semaphore, #tpu.memory_space<semaphore_mem>>) src(%arg16 : memref<64x128xf32, #tpu.memory_space<vmem>>) dst(%dma_wait3A_99 : memref<64x128xf32, #tpu.memory_space<hbm>>)
    %dma_wait3A_100 = arith.constant 0 : i32
    %dma_wait3A_101 = tpu.memref_slice %arg4[%mul3A_2, %dma_wait3A_100] : memref<204800x128xf32, #tpu.memory_space<hbm>> -> memref<64x128xf32, #tpu.memory_space<hbm>>
    %dma_wait3A_102 = arith.constant 0 : i32
    %dma_wait3A_103 = tpu.memref_slice %arg4[%mul3A_2, %dma_wait3A_102] : memref<204800x128xf32, #tpu.memory_space<hbm>> -> memref<64x128xf32, #tpu.memory_space<hbm>>
    tpu.wait_dma2 semaphore(%arg45 : memref<!tpu.dma_semaphore, #tpu.memory_space<semaphore_mem>>) src(%arg17 : memref<64x128xf32, #tpu.memory_space<vmem>>) dst(%dma_wait3A_103 : memref<64x128xf32, #tpu.memory_space<hbm>>)
    %dma_wait3A_104 = arith.constant 0 : i32
    %dma_wait3A_105 = tpu.memref_slice %arg4[%mul3A_2, %dma_wait3A_104] : memref<204800x128xf32, #tpu.memory_space<hbm>> -> memref<64x128xf32, #tpu.memory_space<hbm>>
    %dma_wait3A_106 = arith.constant 0 : i32
    %dma_wait3A_107 = tpu.memref_slice %arg4[%mul3A_2, %dma_wait3A_106] : memref<204800x128xf32, #tpu.memory_space<hbm>> -> memref<64x128xf32, #tpu.memory_space<hbm>>
    tpu.wait_dma2 semaphore(%arg46 : memref<!tpu.dma_semaphore, #tpu.memory_space<semaphore_mem>>) src(%arg18 : memref<64x128xf32, #tpu.memory_space<vmem>>) dst(%dma_wait3A_107 : memref<64x128xf32, #tpu.memory_space<hbm>>)
    %dma_wait3A_108 = arith.constant 0 : i32
    %dma_wait3A_109 = tpu.memref_slice %arg4[%mul3A_2, %dma_wait3A_108] : memref<204800x128xf32, #tpu.memory_space<hbm>> -> memref<64x128xf32, #tpu.memory_space<hbm>>
    %dma_wait3A_110 = arith.constant 0 : i32
    %dma_wait3A_111 = tpu.memref_slice %arg4[%mul3A_2, %dma_wait3A_110] : memref<204800x128xf32, #tpu.memory_space<hbm>> -> memref<64x128xf32, #tpu.memory_space<hbm>>
    tpu.wait_dma2 semaphore(%arg47 : memref<!tpu.dma_semaphore, #tpu.memory_space<semaphore_mem>>) src(%arg19 : memref<64x128xf32, #tpu.memory_space<vmem>>) dst(%dma_wait3A_111 : memref<64x128xf32, #tpu.memory_space<hbm>>)
    %dma_wait3A_112 = arith.constant 0 : i32
    %dma_wait3A_113 = tpu.memref_slice %arg4[%mul3A_2, %dma_wait3A_112] : memref<204800x128xf32, #tpu.memory_space<hbm>> -> memref<64x128xf32, #tpu.memory_space<hbm>>
    %dma_wait3A_114 = arith.constant 0 : i32
    %dma_wait3A_115 = tpu.memref_slice %arg4[%mul3A_2, %dma_wait3A_114] : memref<204800x128xf32, #tpu.memory_space<hbm>> -> memref<64x128xf32, #tpu.memory_space<hbm>>
    tpu.wait_dma2 semaphore(%arg34 : memref<!tpu.dma_semaphore, #tpu.memory_space<semaphore_mem>>) src(%arg6 : memref<64x128xf32, #tpu.memory_space<vmem>>) dst(%dma_wait3A_115 : memref<64x128xf32, #tpu.memory_space<hbm>>)
    %dma_wait3A_116 = arith.constant 0 : i32
    %dma_wait3A_117 = tpu.memref_slice %arg4[%mul3A_2, %dma_wait3A_116] : memref<204800x128xf32, #tpu.memory_space<hbm>> -> memref<64x128xf32, #tpu.memory_space<hbm>>
    %dma_wait3A_118 = arith.constant 0 : i32
    %dma_wait3A_119 = tpu.memref_slice %arg4[%mul3A_2, %dma_wait3A_118] : memref<204800x128xf32, #tpu.memory_space<hbm>> -> memref<64x128xf32, #tpu.memory_space<hbm>>
    tpu.wait_dma2 semaphore(%arg35 : memref<!tpu.dma_semaphore, #tpu.memory_space<semaphore_mem>>) src(%arg7 : memref<64x128xf32, #tpu.memory_space<vmem>>) dst(%dma_wait3A_119 : memref<64x128xf32, #tpu.memory_space<hbm>>)
    return
  }
}

</mosaic_0001>

<sc_bundles>
// kernel: kernel.3.cloned.1.call-start
scs
__scs_entry_jumppad:
0x0: {  	(pc) =	sbr.rel $0x88, $3  }
0x1: {  	(tag) =	ssettag $0x0;
	lr =	simm.s32 $0x1  }
0x2: {  	[smem:$0x3F9F] =	sst lr;
	_ =	strace $0xD0000000  }
0x3: {  	_ = 	snop  }
0x4: {  	_ = 	snop  }
0x5: {  	_ = 	snop  }
0x6: {  	_ = 	snop  }
0x7: {  	_ = 	snop  }
__scs_overlays_trampoline_lowered:
0x8: {  	[smem:$0x3FAE] =	sst s0  }
0x9: {  	[smem:$0x3FAF] =	sst s1  }
0xa: {  	[smem:$0x3FB0] =	sst s2  }
0xb: {  	[smem:$0x3FB1] =	sst s3  }
0xc: {  	[smem:$0x3FB2] =	sst s4  }
0xd: {  	[smem:$0x3FB3] =	sst s5  }
0xe: {  	[smem:$0x3FB4] =	sst s6  }
0xf: {  	[smem:$0x3FB5] =	sst s7  }
0x10: {  	[smem:$0x3FB6] =	sst s8  }
0x11: {  	[smem:$0x3FB7] =	sst s9;
	s0 =	simm.s32 @!p0 $0x0  }
0x12: {  	s1 =	sld [smem:$0x3F9D];
	s0 =	simm.s32 @p0 $0x1  }
0x13: {  	[smem:$0x3FB8] =	sst s0;
	s0 =	simm.s32 @!p1 $0x0  }
0x14: {  	s2 =	sld [smem:$0x3F9C];
	s0 =	simm.s32 @p1 $0x1  }
0x15: {  	[smem:$0x3FB9] =	sst s0;
	s0 =	simm.s32 @!p2 $0x0  }
0x16: {  	s3 =	sld [smem:$0x3FDB];
	s0 =	simm.s32 @p2 $0x1  }
0x17: {  	s4 =	simm.s32 $0x1BF5;
	[smem:$0x3FBB] =	sst s0  }
0x18: {  	s0 =	sld [smem:$0x3F9E];
	_ =	swait.ge [sflag:s4], $0x0  }
0x19: {  	s7 =	sld [smem:$0x3F9F]  }
0x1a: {  	s8 =	sadd.s32 $0xFFFFE003, lr  }
0x1b: {  	s9 =	sadd.s32 $0xFFFFFEF7, lr;
	s5 =	simm.s32 $0xFFFFFFFF;
	p2 =	slt.u32 s8, $0xFFFFF086  }
0x1c: {  	p1 =	slt.u32 s9, $0xF7A;
	s5 =	simm.s32 @!p2 $0x0  }
0x1d: {  	s5 =	simm.s32 @p1 $0x1;
	p0 =	seq.s32 s7, s2  }
0x1e: {  	s7 =	smul.u32 @!p0 $0xF7A, s2;
	p2 =	seq.s32 @!p0 s5, $0x0  }
0x1f: {  	s9 =	smul.u32 $0xF7A, s1;
	s8 =	simm.s32 @!p0 $0x1BF5;
	p2 =	por !p2, p0  }
0x20: {  	[sflag:s8] =	ssyncset.s32 @!p0 $0xFFFFF086;
	s6 =	sadd.s32 @!p0 s3, s7;
	s7 =	simm.s32 @!p0 $0x108  }
0x21: {  	s3 =	sadd.s32 s3, s9;
	s6 =	sadd.s32 @!p0 $0x88, s6;
	s7 =	simm.s32 @p2 $0x1082  }
0x22: {  	[simem:s7], [sflag:s8] =	dma.local @!p0 [hbm:s6], $0xF7A  }
0x23: {  	s9 =	sor.u32 $0xD0000000, s2;
	s6 =	simm.s32 $0x108;
	_ =	swait.ge @!p0 [sflag:s8], $0x0  }
0x24: {  	s3 =	sadd.s32 $0x88, s3;
	s6 =	simm.s32 @!p1 $0x1082;
	[sflag:s4] =	ssyncset.s32 $0xFFFFF086  }
0x25: {  	[simem:s6], [sflag:s4] =	dma.local [hbm:s3], $0xF7A  }
0x26: {  	[smem:$0x3F9F] =	sst s1;
	(tag) =	ssettag s2;
	_ =	strace s9  }
0x27: {  	s1 =	sld [smem:$0x3FAF]  }
0x28: {  	s2 =	sld [smem:$0x3FB0]  }
0x29: {  	s4 =	sld [smem:$0x3FB2]  }
0x2a: {  	p0 =	seq.s32 s5, $0x0;
	s5 =	sld [smem:$0x3FB3]  }
0x2b: {  	s6 =	sld [smem:$0x3FB4]  }
0x2c: {  	s7 =	sld [smem:$0x3FB5]  }
0x2d: {  	s3 =	simm.s32 $0x108;
	s8 =	sld [smem:$0x3FB6]  }
0x2e: {  	s3 =	simm.s32 @!p0 $0x1082;
	s9 =	sld [smem:$0x3FB7]  }
0x2f: {  	lr =	sadd.s32 s0, s3;
	s0 =	sld [smem:$0x3FAE]  }
0x30: {  	s3 =	sld [smem:$0x3FB1]  }
0x31: {  	[smem:$0x3FBA] =	sst s10  }
0x32: {  	s10 =	sld [smem:$0x3FB8];
	_ =	sdelay $0x3  }
0x33: {  	p0 =	seq.s32 s10, $0x1;
	s10 =	sld [smem:$0x3FBA];
	_ =	sdelay $0x3  }
0x34: {  	[smem:$0x3FBA] =	sst s10  }
0x35: {  	s10 =	sld [smem:$0x3FB9];
	_ =	sdelay $0x3  }
0x36: {  	p1 =	seq.s32 s10, $0x1;
	s10 =	sld [smem:$0x3FBA];
	_ =	sdelay $0x3  }
0x37: {  	[smem:$0x3FBA] =	sst s10  }
0x38: {  	s10 =	sld [smem:$0x3FBB]  }
0x39: {  	_ = 	snop;
	(pc) =	sbr.ind lr, $3  }
0x3a: {  	_ = 	snop  }
0x3b: {  	_ = 	snop  }
0x3c: {  	p2 =	seq.s32 s10, $0x1;
	s10 =	sld [smem:$0x3FBA]  }
0x3d: {  	_ =	shalt  }
0x3e: {  	_ =	shalt  }
0x3f: {  	_ =	shalt  }
0x40: {  	_ =	shalt  }
0x41: {  	_ =	shalt  }
0x42: {  	_ =	shalt  }
0x43: {  	_ =	shalt  }
0x44: {  	_ =	shalt  }
0x45: {  	_ =	shalt  }
0x46: {  	_ =	shalt  }
0x47: {  	_ =	shalt  }
0x48: {  	_ =	shalt  }
0x49: {  	_ =	shalt  }
0x4a: {  	_ =	shalt  }
0x4b: {  	_ =	shalt  }
0x4c: {  	_ =	shalt  }
0x4d: {  	_ =	shalt  }
0x4e: {  	_ =	shalt  }
0x4f: {  	_ =	shalt  }
0x50: {  	_ =	shalt  }
0x51: {  	_ =	shalt  }
0x52: {  	_ =	shalt  }
0x53: {  	_ =	shalt  }
0x54: {  	_ =	shalt  }
0x55: {  	_ =	shalt  }
0x56: {  	_ =	shalt  }
0x57: {  	_ =	shalt  }
0x58: {  	_ =	shalt  }
0x59: {  	_ =	shalt  }
0x5a: {  	_ =	shalt  }
0x5b: {  	_ =	shalt  }
0x5c: {  	_ =	shalt  }
0x5d: {  	_ =	shalt  }
0x5e: {  	_ =	shalt  }
0x5f: {  	_ =	shalt  }
0x60: {  	_ =	shalt  }
0x61: {  	_ =	shalt  }
0x62: {  	_ =	shalt  }
0x63: {  	_ =	shalt  }
0x64: {  	_ =	shalt  }
0x65: {  	_ =	shalt  }
0x66: {  	_ =	shalt  }
0x67: {  	_ =	shalt  }
0x68: {  	_ =	shalt  }
0x69: {  	_ =	shalt  }
0x6a: {  	_ =	shalt  }
0x6b: {  	_ =	shalt  }
0x6c: {  	_ =	shalt  }
0x6d: {  	_ =	shalt  }
0x6e: {  	_ =	shalt  }
0x6f: {  	_ =	shalt  }
0x70: {  	_ =	shalt  }
0x71: {  	_ =	shalt  }
0x72: {  	_ =	shalt  }
0x73: {  	_ =	shalt  }
0x74: {  	_ =	shalt  }
0x75: {  	_ =	shalt  }
0x76: {  	_ =	shalt  }
0x77: {  	_ =	shalt  }
0x78: {  	_ =	shalt  }
0x79: {  	_ =	shalt  }
0x7a: {  	_ =	shalt  }
0x7b: {  	_ =	shalt  }
0x7c: {  	_ =	shalt  }
0x7d: {  	_ =	shalt  }
0x7e: {  	_ =	shalt  }
0x7f: {  	_ =	shalt  }
0x80: {  	_ =	shalt  }
0x81: {  	_ =	shalt  }
0x82: {  	_ =	shalt  }
0x83: {  	_ =	shalt  }
0x84: {  	_ =	shalt  }
0x85: {  	_ =	shalt  }
0x86: {  	_ =	shalt  }
0x87: {  	_ =	shalt  }
.Lfunc_end0:
.L_simem_size_0:
called_computation_lowered:
.L_overlay_start_0:
0x88: {  	s2 =	sld [smem:$0x3FD9]  }
0x89: {  	s3 =	sld [smem:$0x3FFE];
	_ =	sdelay $0x1  }
0x8a: {  	s1 =	srdreg.scid  }
0x8b: {  	s0 =	sand.u32 $0x1, s1  }
0x8c: {  	s17 =	sshll.u32 s0, $0xA;
	s2 =	sadd.s32 s3, s2  }
0x8d: {  	s2 =	sadd.s32 s2, s17  }
0x8e: {  	[smem:$0x3FC6] =	sst s2  }
0x8f: {  	_ = 	snop  }
0x90: {  	s2 =	sld [smem:$0x3FC8]  }
0x91: {  	s18 =	sld [smem:$0x3FD0];
	(tm) =	ssettm $0x1  }
0x92: {  	s4 =	sld [smem:$0x3FFB];
	_ =	sdelay $0x3  }
0x93: {  	_ =	strace s4  }
0x94: {  	s4 =	sld [smem:$0x3FFC];
	_ =	sdelay $0x3  }
0x95: {  	_ =	strace s4  }
0x96: {  	s4 =	sld [smem:$0x3FFD];
	_ =	sdelay $0x3  }
0x97: {  	_ =	strace s4  }
0x98: {  	_ =	strace $0x8FFFFFFF  }
0x99: {  	s19 =	sld [smem:$0x3FDB];
	_ =	sdelay $0x1  }
0x9a: {  	s5 =	simm.s32 $_scs_section_size  }
0x9b: {  	s6 =	simm.s32 $_size__tile_overlayer_lowered;
	s7 =	simm.s32 $_tile_overlayer_lowered  }
0x9c: {  	s22 =	simm.s32 $0x1BFF;
	s21 =	sshll.u32 s7, $0x1;
	s4 =	sadd.s32 s5, s19  }
0x9d: {  	s8 =	simm.s32 $0x0;
	s20 =	sshll.u32 s6, $0x1;
	s6 =	sadd.s32 s21, s4  }
0x9e: {  	[timem:s8], [sflag:s22] =	dma.local [hbm:s6], s20  }
0x9f: {  	_ =	swait.ge [sflag:s22], s20  }
0xa0: {  	s5 =	ssub.s32 $0x0, s20;
	[sflag:s22] =	ssyncset.done $0x0  }
0xa1: {  	[sflag:s22] =	ssyncadd.s32 s5;
	_ =	sdelay $0x1  }
0xa2: {  	s23 =	simm.s32 $0x1B8B  }
0xa3: {  	_ =	swait.ge [sflag:s23], $0x1  }
0xa4: {  	[sflag:s23] =	ssyncset.done $0x0  }
0xa5: {  	s25 =	simm.s32 $0x1B8E;
	s24 =	sld [smem:$0x3FFE];
	[sflag:s23] =	ssyncadd.s32 $0xFFFFFFFF  }
0xa6: {  	s26 =	simm.s32 $execute0_lowered;
	[smem:$0x3FD2] =	sst s25  }
0xa7: {  	s6 =	sshll.u32 s26, $0x1;
	_ =	strace $0x80000046;
	[dreg:$0x1] =	wrdreg $0xFFFFFFFF  }
0xa8: {  	s28 =	simm.s32 $_size_execute0_lowered;
	s4 =	sadd.s32 s4, s6;
	[dreg:$0x0] =	wrdreg $0x0  }
0xa9: {  	s6 =	sshll.u32 s28, $0x1;
	[dreg:$0x2] =	wrdreg s4  }
0xaa: {  	[dreg:$0x3] =	wrdreg s6  }
0xab: {  	[dreg:$0x4] =	wrdreg $0xC0  }
0xac: {  	_ =	task [dreg:s8], $0x5FFFF  }
0xad: {  	[dreg:$0x1] =	wrdreg $0xFFFFFFFF  }
0xae: {  	[dreg:$0x0] =	wrdreg $0x60  }
0xaf: {  	[dreg:$0x2] =	wrdreg s2  }
0xb0: {  	[dreg:$0x3] =	wrdreg s24  }
0xb1: {  	[dreg:$0x4] =	wrdreg s18  }
0xb2: {  	[dreg:$0x5] =	wrdreg $0x9  }
0xb3: {  	_ =	task.clear_ibuf [dreg:s8], $0x6FFFF;
	_ =	strace $0x90000046  }
0xb4: {  	s29 =	simm.s32 $0x9;
	_ =	strace $0x80000048  }
0xb5: {  	_ =	swait.ge [sflag:s29], $0x1  }
0xb6: {  	[sflag:s29] =	ssyncadd.s32 $0xFFFFFFFF  }
0xb7: {  	_ =	strace $0x90000048  }
0xb8: {  	_ =	sfence  }
0xb9: {  	s30 =	sld [smem:$0x0];
	_ =	sdelay $0x2  }
0xba: {  	s31 =	sshll.u32 s1, $0xD;
	s1 =	sshrl.u32 s1, $0x2  }
0xbb: {  	s3 =	sand.u32 $0x4000, s31;
	s1 =	sadd.s32 s1, s30  }
0xbc: {  	s0 =	sor.u32 s3, s0;
	s1 =	sshll.u32 s1, $0x11  }
0xbd: {  	s0 =	sor.u32 s1, s0  }
0xbe: {  	s0 =	sadd.s32 $0x8F2B, s0  }
0xbf: {  	[sflag:s0] =	ssyncadd.remote.s32 $0x1  }
0xc0: {  	_ =	sfence.sel $0xFFFF  }
0xc1: {  	[dreg:$0x0] =	wrdreg $0xFFFFFFFF;
	(pc) =	sbr.abs _section_cstart, $3  }
0xc2: {  	[dreg:$0x1] =	wrdreg $0xFFFFFFFF  }
0xc3: {  	_ =	task.clear_ibuf [dreg:s8], $0x2FFFF;
	_ =	strace $0x9FFFFFFF  }
0xc4: {  	(tm) =	ssettm $0x7FFFFFFF  }
0xc5: {  	_ =	shalt  }
tec
execute0_lowered:
.L_overlay_start_1:
0x0: {  	(tag) =	ssettag $0x1  }
0x1: {  	s0 =	srdreg.scid;
	s1 =	rddreg [dreg:$0x0]  }
0x2: {  	s8 =	stileid.u32;
	s3 =	rddreg [dreg:$0x1]  }
0x3: {  	s9 =	rddreg [dreg:$0x2];
	s7 =	smul.u32 $0x190000, s8  }
0x4: {  	s4 =	simm.s32 $0x0;
	s0 =	sand.u32 $0x1, s0;
	s24 =	smul.u32 $0x32000, s8  }
0x5: {  	s28 =	simm.s32 $0xD900;
	s2 =	sshll.u32 s8, $0x1;
	s22 =	smul.u32 $0xC8000, s0  }
0x6: {  	s2 =	sor.u32 s0, s2;
	s21 =	ssub.s32 $0x2, s0;
	s0 =	smul.u32 $0x19000, s0  }
0x7: {  	s31 =	simm.s32 $0x13900;
	[smem:$0x7FF] =	sst s4;
	s5 =	smul.u32 $0x1900, s2  }
0x8: {  	s30 =	simm.s32 $0x17900;
	_ =	strace $0x80000047;
	s2 =	smul.u32 $0xC8000, s2  }
0x9: {  	s6 =	sshrl.u32 s21, $0x1;
	s0 =	sadd.s32 s0, s24;
	s5 =	sshrl.u32 s5, $0x3  }
0xa: {  	s2 =	sshrl.u32 s2, $0x3;
	[dreg:$0xa] =	wrdreg s0;
	s3 =	sadd.s32 s5, s3  }
0xb: {  	s5 =	ssub.s32 s21, s6;
	s2 =	sadd.s32 s9, s2;
	s6 =	sadd.s32 s22, s7  }
0xc: {  	s3 =	sadd.s32 $0x400, s3;
	s23 =	sadd.s32 $0x18800, s2;
	s25 =	sadd.s32 $0x18C00, s2  }
0xd: {  	s5 =	smax.u32 s5, $0x1;
	s26 =	sadd.s32 $0x17800, s2;
	s29 =	sor.u32 $0x4000, s6  }
0xe: {  	s2 =	sadd.s32 $0x18000, s2;
	s8 =	sor.u32 $0x6000, s6;
	[dreg:$0x4] =	wrdreg s3  }
0xf: {  	s9 =	sadd.s32 $0x8000, s6;
	s10 =	sadd.s32 $0xA000, s6;
	[dreg:$0x5] =	wrdreg s23  }
0x10: {  	s13 =	sadd.s32 $0xC000, s6;
	s14 =	sadd.s32 $0xE000, s6;
	[dreg:$0x6] =	wrdreg s25  }
0x11: {  	s15 =	sadd.s32 $0x10000, s6;
	s18 =	sadd.s32 $0x12000, s6;
	[dreg:$0x7] =	wrdreg s5  }
0x12: {  	s19 =	sadd.s32 $0x14000, s6;
	s20 =	sadd.s32 $0x16000, s6;
	[dreg:$0x8] =	wrdreg s26  }
0x13: {  	s24 =	sadd.s32 $0x1A000, s6;
	[dreg:$0x9] =	wrdreg s2;
	s7 =	sshrl.u32 s29, $0x3  }
0x14: {  	s0 =	sshrl.u32 s8, $0x3;
	s11 =	sshrl.u32 s9, $0x3;
	s12 =	sshrl.u32 s10, $0x3  }
0x15: {  	s16 =	sshrl.u32 s14, $0x3;
	s17 =	sshrl.u32 s15, $0x3;
	[dreg:$0xb] =	wrdreg s7  }
0x16: {  	s21 =	sshrl.u32 s19, $0x3;
	s22 =	sshrl.u32 s20, $0x3;
	[dreg:$0xc] =	wrdreg s0  }
0x17: {  	s23 =	sadd.s32 $0x18000, s6;
	s25 =	sor.u32 $0x2000, s6;
	[dreg:$0xd] =	wrdreg s11  }
0x18: {  	s26 =	sshrl.u32 s24, $0x3;
	s6 =	simm.s32 $0x1900;
	[dreg:$0xe] =	wrdreg s12  }
0x19: {  	s24 =	simm.s32 $0x3900;
	s5 =	simm.s32 $0x1;
	[dreg:$0x10] =	wrdreg s16  }
0x1a: {  	s3 =	simm.s32 $0x5;
	s9 =	simm.s32 $0x6;
	[dreg:$0x11] =	wrdreg s17  }
0x1b: {  	s10 =	simm.s32 $0x7;
	s14 =	simm.s32 $0x9;
	[dreg:$0x13] =	wrdreg s21  }
0x1c: {  	s15 =	simm.s32 $0x10;
	s19 =	simm.s32 $0x15;
	[dreg:$0x14] =	wrdreg s22  }
0x1d: {  	s8 =	simm.s32 $0x0;
	s0 =	sshrl.u32 s13, $0x3;
	[dreg:$0x16] =	wrdreg s26  }
0x1e: {  	s29 =	sshrl.u32 s25, $0x3;
	s26 =	simm.s32 $0x40;
	s7 =	simm.s32 $0x2  }
.Ltmp0:
0x1f: {  	s25 =	simm.s32 $0x3;
	s11 =	simm.s32 $0x1B900;
	(pc) =	sbr.rel .LBB2_1-.Ltmp0, $4  }
0x20: {  	s12 =	simm.s32 $0x8;
	s13 =	simm.s32 $0xF;
	[dreg:$0xf] =	wrdreg s0  }
0x21: {  	s16 =	simm.s32 $0xA;
	s0 =	sshrl.u32 s18, $0x3;
	[dreg:$0x17] =	wrdreg s29  }
0x22: {  	s17 =	simm.s32 $0xC;
	[dreg:$0x12] =	wrdreg s0;
	s0 =	sshrl.u32 s23, $0x3  }
0x23: {  	s18 =	simm.s32 $0xE;
	[dreg:$0x15] =	wrdreg s0;
	s0 =	simm.s32 $0x4  }
.LBB2_4:
0x24: {  	_ =	swait.ge [sflag:s5], $0x2000  }
0x25: {  	[sflag:s5] =	ssyncset.done $0x0  }
0x26: {  	s6 =	simm.s32 $0x1900;
	s2 =	rddreg [dreg:$0x5];
	[sflag:s5] =	ssyncadd.s32 $0xFFFFE000  }
0x27: {  	[hbm4b:s2+s4] =	stream.linear.scatter [tilespmem:s6], [sflag:$0xF], $0x2000, $0x38;
	[tilespmem:$0x1D900] =	vst v63  }
0x28: {  	_ =	swait.ge [sflag:s7], $0x2000  }
0x29: {  	s24 =	simm.s32 $0x3900;
	[sflag:s7] =	ssyncset.done $0x0  }
0x2a: {  	s8 =	simm.s32 $0x11;
	s29 =	rddreg [dreg:$0x6];
	[sflag:s7] =	ssyncadd.s32 $0xFFFFE000  }
0x2b: {  	[hbm4b:s29+s4] =	stream.linear.scatter [tilespmem:s24], [sflag:$0x10], $0x2000, $0x38;
	[tilespmem:$0x1D900] =	vst v63  }
0x2c: {  	_ =	swait.ge [sflag:s8], $0x2000  }
0x2d: {  	[sflag:s8] =	ssyncset.done $0x0  }
0x2e: {  	s20 =	simm.s32 $0x12;
	[sflag:s8] =	ssyncadd.s32 $0xFFFFE000  }
0x2f: {  	_ =	swait.ge [sflag:s20], $0x2000  }
0x30: {  	[sflag:s20] =	ssyncset.done $0x0  }
0x31: {  	s21 =	simm.s32 $0x13;
	[sflag:s20] =	ssyncadd.s32 $0xFFFFE000  }
0x32: {  	_ =	swait.ge [sflag:s21], $0x2000  }
0x33: {  	[sflag:s21] =	ssyncset.done $0x0  }
0x34: {  	s22 =	simm.s32 $0x14;
	[sflag:s21] =	ssyncadd.s32 $0xFFFFE000  }
0x35: {  	_ =	swait.ge [sflag:s22], $0x2000  }
0x36: {  	[sflag:s22] =	ssyncset.done $0x0  }
0x37: {  	[sflag:s22] =	ssyncadd.s32 $0xFFFFE000  }
0x38: {  	_ =	swait.ge [sflag:s19], $0x2000  }
0x39: {  	[sflag:s19] =	ssyncset.done $0x0  }
0x3a: {  	s23 =	simm.s32 $0x16;
	[sflag:s19] =	ssyncadd.s32 $0xFFFFE000  }
0x3b: {  	_ =	swait.ge [sflag:s23], $0x2000  }
0x3c: {  	[sflag:s23] =	ssyncset.done $0x0  }
0x3d: {  	s29 =	simm.s32 $0x17;
	[sflag:s23] =	ssyncadd.s32 $0xFFFFE000  }
0x3e: {  	_ =	swait.ge [sflag:s29], $0x2000  }
0x3f: {  	[sflag:s29] =	ssyncset.done $0x0  }
0x40: {  	s8 =	simm.s32 $0x18;
	[sflag:s29] =	ssyncadd.s32 $0xFFFFE000  }
0x41: {  	_ =	swait.ge [sflag:s8], $0x2000  }
0x42: {  	[sflag:s8] =	ssyncset.done $0x0  }
0x43: {  	s20 =	simm.s32 $0x19;
	[sflag:s8] =	ssyncadd.s32 $0xFFFFE000  }
0x44: {  	_ =	swait.ge [sflag:s20], $0x2000  }
0x45: {  	[sflag:s20] =	ssyncset.done $0x0  }
0x46: {  	s21 =	simm.s32 $0x1A;
	[sflag:s20] =	ssyncadd.s32 $0xFFFFE000  }
0x47: {  	_ =	swait.ge [sflag:s21], $0x2000  }
0x48: {  	[sflag:s21] =	ssyncset.done $0x0  }
0x49: {  	s22 =	simm.s32 $0x1B;
	[sflag:s21] =	ssyncadd.s32 $0xFFFFE000  }
0x4a: {  	_ =	swait.ge [sflag:s22], $0x2000  }
0x4b: {  	[sflag:s22] =	ssyncset.done $0x0  }
0x4c: {  	s23 =	simm.s32 $0x1C;
	[sflag:s22] =	ssyncadd.s32 $0xFFFFE000  }
0x4d: {  	_ =	swait.ge [sflag:s23], $0x2000  }
0x4e: {  	[sflag:s23] =	ssyncset.done $0x0  }
0x4f: {  	[sflag:s23] =	ssyncadd.s32 $0xFFFFE000  }
0x50: {  	_ =	swait.ge [sflag:s13], $0x2000  }
0x51: {  	[sflag:s13] =	ssyncset.done $0x0  }
0x52: {  	[sflag:s13] =	ssyncadd.s32 $0xFFFFE000  }
0x53: {  	_ =	swait.ge [sflag:s15], $0x2000  }
0x54: {  	s8 =	rddreg [dreg:$0x18]  }
0x55: {  	s29 =	rddreg [dreg:$0x7];
	s8 =	sadd.s32 $0x1, s8  }
0x56: {  	p0 =	sne.s32 s8, s29  }
.Ltmp1:
0x57: {  	_ = 	snop;
	(pc) =	sbr.rel @!p0 .LBB2_5-.Ltmp1, $3  }
0x58: {  	_ =	sdelay $0x1  }
0x59: {  	[sflag:s15] =	ssyncset.done $0x0  }
0x5a: {  	s28 =	simm.s32 $0xD900;
	[sflag:s15] =	ssyncadd.s32 $0xFFFFE000  }
.LBB2_1:
0x5b: {  	[dreg:$0x18] =	wrdreg s8  }
0x5c: {  	s2 =	rddreg [dreg:$0x4];
	s22 =	simm.s32 $0x1D  }
0x5d: {  	[tilespmem:s4], [sflag:$0x1D] =	stream.linear.gather [hbm4b:s2+s4], $0x1900, $0x38;
	[tilespmem:$0x1D900] =	vst v63  }
0x5e: {  	_ =	swait.ge [sflag:s22], $0x1900  }
0x5f: {  	[sflag:s22] =	ssyncset.done $0x0  }
0x60: {  	[sflag:s22] =	ssyncadd.s32 $0xFFFFE700  }
0x61: {  	[tilespmem:s6], [sflag:$0x1] =	stream.indirect.gather [hbm4b:s1+s26], $0x80, s4, s26, $0xb8;
	[tilespmem:$0x1D900] =	vst v63  }
0x62: {  	_ = 	snop  }
0x63: {  	[tilespmem:s24], [sflag:$0x2] =	stream.indirect.gather [hbm4b:s1+s26], $0x80, s26, s26, $0xb8;
	[tilespmem:$0x1D900] =	vst v63  }
0x64: {  	s23 =	simm.s32 $0x80;
	s20 =	simm.s32 $0x5900  }
0x65: {  	[tilespmem:s20], [sflag:$0x3] =	stream.indirect.gather [hbm4b:s1+s26], $0x80, s23, s26, $0xb8;
	[tilespmem:$0x1D900] =	vst v63  }
0x66: {  	s29 =	simm.s32 $0xC0;
	s8 =	simm.s32 $0x7900  }
0x67: {  	[tilespmem:s8], [sflag:$0x4] =	stream.indirect.gather [hbm4b:s1+s26], $0x80, s29, s26, $0xb8;
	[tilespmem:$0x1D900] =	vst v63  }
0x68: {  	s21 =	simm.s32 $0x9900;
	s20 =	simm.s32 $0x100  }
0x69: {  	[tilespmem:s21], [sflag:$0x5] =	stream.indirect.gather [hbm4b:s1+s26], $0x80, s20, s26, $0xb8;
	[tilespmem:$0x1D900] =	vst v63  }
0x6a: {  	s22 =	simm.s32 $0x140;
	s23 =	simm.s32 $0xB900  }
0x6b: {  	[tilespmem:s23], [sflag:$0x6] =	stream.indirect.gather [hbm4b:s1+s26], $0x80, s22, s26, $0xb8;
	[tilespmem:$0x1D900] =	vst v63  }
0x6c: {  	s29 =	simm.s32 $0x180;
	s20 =	rddreg [dreg:$0x2];
	s21 =	simm.s32 $0x0  }
0x6d: {  	[tilespmem:s28], [sflag:$0x7] =	stream.indirect.gather [hbm4b:s1+s26], $0x80, s29, s26, $0xb8;
	[tilespmem:$0x1D900] =	vst v63  }
.LBB2_2:
0x6e: {  	_ =	swait.ge [sflag:s5], $0x2000  }
0x6f: {  	p0 =	seq.s32 s21, $0x0;
	[sflag:s5] =	ssyncset.done $0x0;
	s2 =	rddreg [dreg:$0xa]  }
0x70: {  	s23 =	simm.s32 @!p0 $0x16;
	[sflag:s5] =	ssyncadd.s32 $0xFFFFE000;
	s22 =	sadd.s32 s20, s2  }
0x71: {  	[hbm4b:s22+s4] =	stream.linear.scatter [tilespmem:s6], [sflag:$0xF], $0x2000, $0x38;
	[tilespmem:$0x1D900] =	vst v63  }
0x72: {  	_ =	swait.ge @!p0 [sflag:s23], $0x2000  }
0x73: {  	s22 =	sshra.s32 s21, $0x2;
	[sflag:s23] =	ssyncset.done @!p0 $0x0  }
0x74: {  	s8 =	simm.s32 $0xF900;
	s2 =	sadd.s32 $0x1C0, s22;
	[sflag:s23] =	ssyncadd.s32 @!p0 $0xFFFFE000  }
0x75: {  	[tilespmem:s8], [sflag:$0x8] =	stream.indirect.gather [hbm4b:s1+s26], $0x80, s2, s26, $0xb8;
	[tilespmem:$0x1D900] =	vst v63  }
0x76: {  	_ =	swait.ge [sflag:s7], $0x2000  }
0x77: {  	[sflag:s7] =	ssyncset.done $0x0;
	s23 =	rddreg [dreg:$0x17]  }
0x78: {  	[sflag:s7] =	ssyncadd.s32 $0xFFFFE000;
	s29 =	sadd.s32 s20, s23;
	s23 =	simm.s32 @!p0 $0x17  }
0x79: {  	[hbm4b:s29+s4] =	stream.linear.scatter [tilespmem:s24], [sflag:$0x10], $0x2000, $0x38;
	[tilespmem:$0x1D900] =	vst v63  }
0x7a: {  	_ =	swait.ge @!p0 [sflag:s23], $0x2000  }
0x7b: {  	[sflag:s23] =	ssyncset.done @!p0 $0x0  }
0x7c: {  	s2 =	sadd.s32 $0x200, s22;
	s29 =	simm.s32 $0x11900;
	[sflag:s23] =	ssyncadd.s32 @!p0 $0xFFFFE000  }
0x7d: {  	[tilespmem:s29], [sflag:$0x9] =	stream.indirect.gather [hbm4b:s1+s26], $0x80, s2, s26, $0xb8;
	[tilespmem:$0x1D900] =	vst v63  }
0x7e: {  	_ =	swait.ge [sflag:s25], $0x2000  }
0x7f: {  	[sflag:s25] =	ssyncset.done $0x0;
	s23 =	rddreg [dreg:$0xb]  }
0x80: {  	s2 =	simm.s32 $0x5900;
	[sflag:s25] =	ssyncadd.s32 $0xFFFFE000;
	s23 =	sadd.s32 s20, s23  }
0x81: {  	[hbm4b:s23+s4] =	stream.linear.scatter [tilespmem:s2], [sflag:$0x11], $0x2000, $0x38;
	[tilespmem:$0x1D900] =	vst v63  }
0x82: {  	s23 =	simm.s32 @!p0 $0x18  }
0x83: {  	_ =	swait.ge @!p0 [sflag:s23], $0x2000  }
0x84: {  	[sflag:s23] =	ssyncset.done @!p0 $0x0  }
0x85: {  	s2 =	sadd.s32 $0x240, s22;
	[sflag:s23] =	ssyncadd.s32 @!p0 $0xFFFFE000  }
0x86: {  	[tilespmem:s31], [sflag:$0xA] =	stream.indirect.gather [hbm4b:s1+s26], $0x80, s2, s26, $0xb8;
	[tilespmem:$0x1D900] =	vst v63  }
0x87: {  	_ =	swait.ge [sflag:s0], $0x2000  }
0x88: {  	[sflag:s0] =	ssyncset.done $0x0;
	s23 =	rddreg [dreg:$0xc]  }
0x89: {  	s2 =	simm.s32 $0x7900;
	[sflag:s0] =	ssyncadd.s32 $0xFFFFE000;
	s23 =	sadd.s32 s20, s23  }
0x8a: {  	[hbm4b:s23+s4] =	stream.linear.scatter [tilespmem:s2], [sflag:$0x12], $0x2000, $0x38;
	[tilespmem:$0x1D900] =	vst v63  }
0x8b: {  	s23 =	simm.s32 @!p0 $0x19  }
0x8c: {  	_ =	swait.ge @!p0 [sflag:s23], $0x2000  }
0x8d: {  	[sflag:s23] =	ssyncset.done @!p0 $0x0  }
0x8e: {  	s2 =	simm.s32 $0x15900;
	[sflag:s23] =	ssyncadd.s32 @!p0 $0xFFFFE000;
	s23 =	sadd.s32 $0x280, s22  }
0x8f: {  	[tilespmem:s2], [sflag:$0xB] =	stream.indirect.gather [hbm4b:s1+s26], $0x80, s23, s26, $0xb8;
	[tilespmem:$0x1D900] =	vst v63  }
0x90: {  	_ =	swait.ge [sflag:s3], $0x2000  }
0x91: {  	[sflag:s3] =	ssyncset.done $0x0;
	s23 =	rddreg [dreg:$0xd]  }
0x92: {  	s2 =	simm.s32 $0x9900;
	[sflag:s3] =	ssyncadd.s32 $0xFFFFE000;
	s23 =	sadd.s32 s20, s23  }
0x93: {  	[hbm4b:s23+s4] =	stream.linear.scatter [tilespmem:s2], [sflag:$0x13], $0x2000, $0x38;
	[tilespmem:$0x1D900] =	vst v63  }
0x94: {  	s23 =	simm.s32 @!p0 $0x1A  }
0x95: {  	_ =	swait.ge @!p0 [sflag:s23], $0x2000  }
0x96: {  	[sflag:s23] =	ssyncset.done @!p0 $0x0  }
0x97: {  	s2 =	sadd.s32 $0x2C0, s22;
	[sflag:s23] =	ssyncadd.s32 @!p0 $0xFFFFE000  }
0x98: {  	[tilespmem:s30], [sflag:$0xC] =	stream.indirect.gather [hbm4b:s1+s26], $0x80, s2, s26, $0xb8;
	[tilespmem:$0x1D900] =	vst v63  }
0x99: {  	_ =	swait.ge [sflag:s9], $0x2000  }
0x9a: {  	[sflag:s9] =	ssyncset.done $0x0;
	s23 =	rddreg [dreg:$0xe]  }
0x9b: {  	s2 =	simm.s32 $0xB900;
	[sflag:s9] =	ssyncadd.s32 $0xFFFFE000;
	s23 =	sadd.s32 s20, s23  }
0x9c: {  	[hbm4b:s23+s4] =	stream.linear.scatter [tilespmem:s2], [sflag:$0x14], $0x2000, $0x38;
	[tilespmem:$0x1D900] =	vst v63  }
0x9d: {  	s23 =	simm.s32 @!p0 $0x1B  }
0x9e: {  	_ =	swait.ge @!p0 [sflag:s23], $0x2000  }
0x9f: {  	[sflag:s23] =	ssyncset.done @!p0 $0x0  }
0xa0: {  	s2 =	simm.s32 $0x19900;
	[sflag:s23] =	ssyncadd.s32 @!p0 $0xFFFFE000;
	s23 =	sadd.s32 $0x300, s22  }
0xa1: {  	[tilespmem:s2], [sflag:$0xD] =	stream.indirect.gather [hbm4b:s1+s26], $0x80, s23, s26, $0xb8;
	[tilespmem:$0x1D900] =	vst v63  }
0xa2: {  	_ =	swait.ge [sflag:s10], $0x2000  }
0xa3: {  	[sflag:s10] =	ssyncset.done $0x0;
	s23 =	rddreg [dreg:$0xf]  }
0xa4: {  	[sflag:s10] =	ssyncadd.s32 $0xFFFFE000;
	s2 =	sadd.s32 s20, s23;
	s23 =	simm.s32 @!p0 $0x1C  }
0xa5: {  	[hbm4b:s2+s4] =	stream.linear.scatter [tilespmem:s28], [sflag:$0x15], $0x2000, $0x38;
	[tilespmem:$0x1D900] =	vst v63  }
0xa6: {  	_ =	swait.ge @!p0 [sflag:s23], $0x2000  }
0xa7: {  	[sflag:s23] =	ssyncset.done @!p0 $0x0  }
0xa8: {  	s2 =	sadd.s32 $0x340, s22;
	[sflag:s23] =	ssyncadd.s32 @!p0 $0xFFFFE000  }
0xa9: {  	[tilespmem:s11], [sflag:$0xE] =	stream.indirect.gather [hbm4b:s1+s26], $0x80, s2, s26, $0xb8;
	[tilespmem:$0x1D900] =	vst v63  }
0xaa: {  	_ =	swait.ge [sflag:s12], $0x2000  }
0xab: {  	[sflag:s12] =	ssyncset.done $0x0;
	s23 =	rddreg [dreg:$0x10]  }
0xac: {  	[sflag:s12] =	ssyncadd.s32 $0xFFFFE000;
	s28 =	sadd.s32 s20, s23  }
0xad: {  	[hbm4b:s28+s4] =	stream.linear.scatter [tilespmem:s8], [sflag:$0x16], $0x2000, $0x38;
	[tilespmem:$0x1D900] =	vst v63  }
0xae: {  	_ =	swait.ge [sflag:s13], $0x2000  }
0xaf: {  	[sflag:s13] =	ssyncset.done $0x0  }
0xb0: {  	s2 =	sadd.s32 $0x380, s22;
	[sflag:s13] =	ssyncadd.s32 $0xFFFFE000  }
0xb1: {  	[tilespmem:s6], [sflag:$0x1] =	stream.indirect.gather [hbm4b:s1+s26], $0x80, s2, s26, $0xb8;
	[tilespmem:$0x1D900] =	vst v63  }
0xb2: {  	_ =	swait.ge [sflag:s14], $0x2000  }
0xb3: {  	[sflag:s14] =	ssyncset.done $0x0;
	s6 =	rddreg [dreg:$0x11]  }
0xb4: {  	[sflag:s14] =	ssyncadd.s32 $0xFFFFE000;
	s8 =	sadd.s32 s20, s6  }
0xb5: {  	[hbm4b:s8+s4] =	stream.linear.scatter [tilespmem:s29], [sflag:$0x17], $0x2000, $0x38;
	[tilespmem:$0x1D900] =	vst v63  }
0xb6: {  	_ =	swait.ge [sflag:s15], $0x2000  }
0xb7: {  	[sflag:s15] =	ssyncset.done $0x0  }
0xb8: {  	s28 =	sadd.s32 $0x3C0, s22;
	[sflag:s15] =	ssyncadd.s32 $0xFFFFE000  }
0xb9: {  	[tilespmem:s24], [sflag:$0x2] =	stream.indirect.gather [hbm4b:s1+s26], $0x80, s28, s26, $0xb8;
	[tilespmem:$0x1D900] =	vst v63  }
0xba: {  	_ =	swait.ge [sflag:s16], $0x2000  }
0xbb: {  	p0 =	seq.s32 s21, $0x5400;
	[sflag:s16] =	ssyncset.done $0x0;
	s29 =	rddreg [dreg:$0x12]  }
0xbc: {  	s23 =	simm.s32 @p0 $0xB;
	[sflag:s16] =	ssyncadd.s32 $0xFFFFE000;
	s2 =	sadd.s32 s20, s29  }
0xbd: {  	[hbm4b:s2+s4] =	stream.linear.scatter [tilespmem:s31], [sflag:$0x18], $0x2000, $0x38;
	[tilespmem:$0x1D900] =	vst v63  }
0xbe: {  	_ =	swait.ge @p0 [sflag:s23], $0x2000  }
0xbf: {  	s24 =	simm.s32 @p0 $0x15900;
	[sflag:s23] =	ssyncset.done @p0 $0x0  }
0xc0: {  	s2 =	rddreg [dreg:$0x8];
	[sflag:s23] =	ssyncadd.s32 @p0 $0xFFFFE000;
	s23 =	simm.s32 @p0 $0x0  }
0xc1: {  	[hbm4b:s2+s23] =	stream.linear.scatter @p0 [tilespmem:s24], [sflag:$0x19], $0x2000, $0x38;
	[tilespmem:$0x1D900] =	vst v63  }
0xc2: {  	s24 =	simm.s32 @!p0 $0x11  }
0xc3: {  	_ =	swait.ge @!p0 [sflag:s24], $0x2000  }
0xc4: {  	[sflag:s24] =	ssyncset.done @!p0 $0x0  }
0xc5: {  	[sflag:s24] =	ssyncadd.s32 @!p0 $0xFFFFE000;
	s24 =	sshra.s32 @!p0 s21, $0x2  }
0xc6: {  	s29 =	simm.s32 @!p0 $0x40;
	s2 =	simm.s32 @!p0 $0x5900;
	s28 =	sadd.s32 @!p0 $0x400, s24  }
0xc7: {  	[tilespmem:s2], [sflag:$0x3] =	stream.indirect.gather @!p0 [hbm4b:s1+s29], $0x80, s28, s29, $0xb8;
	[tilespmem:$0x1D900] =	vst v63  }
0xc8: {  	s2 =	simm.s32 @!p0 $0xB  }
0xc9: {  	_ =	swait.ge @!p0 [sflag:s2], $0x2000  }
0xca: {  	[sflag:s2] =	ssyncset.done @!p0 $0x0  }
0xcb: {  	[sflag:s2] =	ssyncadd.s32 @!p0 $0xFFFFE000;
	s2 =	rddreg [dreg:$0x13]  }
0xcc: {  	s6 =	simm.s32 @!p0 $0x15900;
	s28 =	simm.s32 @!p0 $0x0;
	s2 =	sadd.s32 @!p0 s20, s2  }
0xcd: {  	[hbm4b:s2+s28] =	stream.linear.scatter @!p0 [tilespmem:s6], [sflag:$0x19], $0x2000, $0x38;
	[tilespmem:$0x1D900] =	vst v63  }
0xce: {  	s2 =	simm.s32 @!p0 $0x12  }
0xcf: {  	_ =	swait.ge @!p0 [sflag:s2], $0x2000  }
0xd0: {  	[sflag:s2] =	ssyncset.done @!p0 $0x0  }
0xd1: {  	s6 =	simm.s32 @!p0 $0x7900;
	[sflag:s2] =	ssyncadd.s32 @!p0 $0xFFFFE000;
	s2 =	sadd.s32 @!p0 $0x440, s24  }
0xd2: {  	[tilespmem:s6], [sflag:$0x4] =	stream.indirect.gather @!p0 [hbm4b:s1+s29], $0x80, s2, s29, $0xb8;
	[tilespmem:$0x1D900] =	vst v63  }
0xd3: {  	_ =	swait.ge [sflag:s17], $0x2000  }
0xd4: {  	[sflag:s17] =	ssyncset.done $0x0;
	s6 =	rddreg [dreg:$0x14]  }
0xd5: {  	[sflag:s17] =	ssyncadd.s32 $0xFFFFE000;
	s2 =	sadd.s32 s20, s6  }
0xd6: {  	[hbm4b:s2+s4] =	stream.linear.scatter [tilespmem:s30], [sflag:$0x1A], $0x2000, $0x38;
	[tilespmem:$0x1D900] =	vst v63  }
0xd7: {  	s2 =	simm.s32 @p0 $0xD  }
0xd8: {  	_ =	swait.ge @p0 [sflag:s2], $0x2000  }
0xd9: {  	[sflag:s2] =	ssyncset.done @p0 $0x0  }
0xda: {  	s6 =	rddreg [dreg:$0x9];
	[sflag:s2] =	ssyncadd.s32 @p0 $0xFFFFE000;
	s2 =	simm.s32 @p0 $0x19900  }
0xdb: {  	[hbm4b:s6+s23] =	stream.linear.scatter @p0 [tilespmem:s2], [sflag:$0x1B], $0x2000, $0x38;
	[tilespmem:$0x1D900] =	vst v63  }
0xdc: {  	s2 =	simm.s32 @!p0 $0x13  }
0xdd: {  	_ =	swait.ge @!p0 [sflag:s2], $0x2000  }
0xde: {  	[sflag:s2] =	ssyncset.done @!p0 $0x0  }
0xdf: {  	s6 =	simm.s32 @!p0 $0x9900;
	[sflag:s2] =	ssyncadd.s32 @!p0 $0xFFFFE000;
	s2 =	sadd.s32 @!p0 $0x480, s24  }
0xe0: {  	[tilespmem:s6], [sflag:$0x5] =	stream.indirect.gather @!p0 [hbm4b:s1+s29], $0x80, s2, s29, $0xb8;
	[tilespmem:$0x1D900] =	vst v63  }
0xe1: {  	s2 =	simm.s32 @!p0 $0xD  }
0xe2: {  	_ =	swait.ge @!p0 [sflag:s2], $0x2000  }
0xe3: {  	[sflag:s2] =	ssyncset.done @!p0 $0x0  }
0xe4: {  	[sflag:s2] =	ssyncadd.s32 @!p0 $0xFFFFE000;
	s2 =	rddreg [dreg:$0x15]  }
0xe5: {  	s6 =	simm.s32 @!p0 $0x19900;
	s2 =	sadd.s32 @!p0 s20, s2  }
0xe6: {  	[hbm4b:s2+s28] =	stream.linear.scatter @!p0 [tilespmem:s6], [sflag:$0x1B], $0x2000, $0x38;
	[tilespmem:$0x1D900] =	vst v63  }
0xe7: {  	s2 =	simm.s32 @!p0 $0x14  }
0xe8: {  	_ =	swait.ge @!p0 [sflag:s2], $0x2000  }
0xe9: {  	[sflag:s2] =	ssyncset.done @!p0 $0x0  }
0xea: {  	s6 =	simm.s32 @!p0 $0xB900;
	[sflag:s2] =	ssyncadd.s32 @!p0 $0xFFFFE000;
	s2 =	sadd.s32 @!p0 $0x4C0, s24  }
0xeb: {  	[tilespmem:s6], [sflag:$0x6] =	stream.indirect.gather @!p0 [hbm4b:s1+s29], $0x80, s2, s29, $0xb8;
	[tilespmem:$0x1D900] =	vst v63  }
.Ltmp2:
0xec: {  	_ = 	snop;
	(pc) =	sbr.rel @p0 .LBB2_4-.Ltmp2, $4  }
0xed: {  	_ =	swait.ge [sflag:s18], $0x2000  }
0xee: {  	[sflag:s18] =	ssyncset.done $0x0;
	s29 =	rddreg [dreg:$0x16]  }
0xef: {  	s8 =	simm.s32 $0xD900;
	[sflag:s18] =	ssyncadd.s32 $0xFFFFE000;
	s2 =	sadd.s32 s20, s29  }
0xf0: {  	[hbm4b:s2+s4] =	stream.linear.scatter [tilespmem:s11], [sflag:$0x1C], $0x2000, $0x38;
	[tilespmem:$0x1D900] =	vst v63  }
.Ltmp3:
0xf1: {  	(pc) =	sbr.rel .LBB2_2-.Ltmp3, $4  }
0xf2: {  	_ =	swait.ge [sflag:s19], $0x2000;
	s2 =	sadd.s32 $0x500, s22;
	s21 =	sadd.s32 $0xE00, s21  }
0xf3: {  	s20 =	sadd.s32 $0x3800, s20;
	s6 =	simm.s32 $0x1900;
	[sflag:s19] =	ssyncset.done $0x0  }
0xf4: {  	s24 =	simm.s32 $0x3900;
	s28 =	simm.s32 $0xD900;
	[sflag:s19] =	ssyncadd.s32 $0xFFFFE000  }
0xf5: {  	[tilespmem:s8], [sflag:$0x7] =	stream.indirect.gather [hbm4b:s1+s26], $0x80, s2, s26, $0xb8;
	[tilespmem:$0x1D900] =	vst v63  }
.LBB2_5:
0xf6: {  	_ =	sfence.sel $0x180000  }
0xf7: {  	[bflag:$0x0] =	sbarrier.arrive $0xFFFF  }
0xf8: {  	_ =	strace $0x90000047  }
0xf9: {  	s0 =	stileid.u32;
	[bflag:$0x2] =	sbarrier.arrive $0xFFFF  }
0xfa: {  	p0 =	sne.s32 s0, $0x0;
	s0 =	rddreg [dreg:$0x3]  }
0xfb: {  	s0 =	sadd.s32 @!p0 $0x100000, s0  }
0xfc: {  	[sflag:s0] =	ssyncadd.tile.s32 @!p0 $0x1;
	_ =	shalt  }
.Lfunc_end2:
_tile_overlayer_lowered:
.L_overlay_start_2:
0xfd: {  	(tag) =	ssettag $0x2  }
0xfe: {  	s0 =	rddreg [dreg:$0x0];
	s2 =	stileid.u32  }
0xff: {  	s1 =	rddreg [dreg:$0x1];
	p0 =	sne.s32 s2, $0x0  }
0x100: {  	s3 =	rddreg [dreg:$0x2];
	[bflag:$0x3] =	sbarrier.arrive $0xFFFF;
	s2 =	simm.s32 @!p0 $0x1C1D  }
0x101: {  	[timem:s3], [sflag:s2] =	dma.local @!p0 [hbm:s0], s1  }
0x102: {  	s0 =	simm.s32 @!p0 $0x1D  }
0x103: {  	_ =	swait.ge @!p0 [sflag:s0], s1  }
0x104: {  	s1 =	ssub.s32 @!p0 $0x0, s1;
	[sflag:s0] =	ssyncset.done @!p0 $0x0  }
0x105: {  	[sflag:s0] =	ssyncadd.s32 @!p0 s1  }
0x106: {  	[bflag:$0x3] =	sbarrier.arrive $0xFFFF  }
0x107: {  	_ =	shalt  }

</sc_bundles>
